<compile_context>
chip_gen: v7x
topology: tpu7x:2x2x1
jax: 0.10.2.dev20260603
libtpu: 0.0.44.dev20260713+nightly
codegen_flags: <defaults>
</compile_context>

<pallas_src>
import functools

import jax
import jax.numpy as jnp
from jax import lax
from jax.experimental import pallas as pl
from jax.experimental.pallas import tpu as pltpu
from jax.experimental.pallas import tpu_sc as plsc


def _sc_gather3(pgT, mtT, nmT, page_idx, mat_idx, name_idx):
    info = plsc.get_sparse_core_info()
    b = page_idx.shape[0]
    ed = pgT.shape[0]
    v_pg, v_mt, v_nm = pgT.shape[1], mtT.shape[1], nmT.shape[1]
    half = b // info.num_cores
    mesh = plsc.VectorSubcoreMesh(core_axis_name="c", subcore_axis_name="s")

    @functools.partial(
        pl.kernel,
        mesh=mesh,
        out_type=(
            jax.ShapeDtypeStruct((ed, b), jnp.float32),
            jax.ShapeDtypeStruct((ed, b), jnp.float32),
            jax.ShapeDtypeStruct((ed, b), jnp.float32),
        ),
        scratch_types=[
            pltpu.VMEM((v_nm,), jnp.float32),
            pltpu.VMEM((v_pg,), jnp.float32),
            pltpu.VMEM((v_mt,), jnp.float32),
            pltpu.VMEM((half,), jnp.int32),
            pltpu.VMEM((half,), jnp.float32),
            pltpu.VMEM((half,), jnp.float32),
            pltpu.SemaphoreType.DMA,
            pltpu.SemaphoreType.DMA,
            pltpu.SemaphoreType.DMA,
        ],
        compiler_params=pltpu.CompilerParams(use_tc_tiling_on_sc=True,
                                             needs_layout_passes=False),
    )
    def gather_k(pgT_h, mtT_h, nmT_h, pg_i, mt_i, nm_i, pe_o, me_o, ne_o,
                 row_nm, row_pg, row_mt, idxb, outb, outb2,
                 sem, sem2, sem3):
        c = lax.axis_index("c")
        s = lax.axis_index("s")
        col0 = c * half
        nm_dma = pltpu.async_copy(nmT_h.at[s], row_nm, sem)

        def gather_rows(row_ref, ob):
            @plsc.parallel_loop(0, half // 16, unroll=4)
            def step(j):
                iv = idxb[pl.ds(j * 16, 16)]
                ob[pl.ds(j * 16, 16)] = plsc.load_gather(row_ref, [iv])

        pltpu.sync_copy(pgT_h.at[s], row_pg)
        pltpu.sync_copy(pg_i.at[pl.ds(col0, half)], idxb)
        gather_rows(row_pg, outb)
        pe_dma = pltpu.async_copy(outb, pe_o.at[s, pl.ds(col0, half)], sem2)

        pltpu.sync_copy(mtT_h.at[s], row_mt)
        pltpu.sync_copy(mt_i.at[pl.ds(col0, half)], idxb)
        gather_rows(row_mt, outb2)
        me_dma = pltpu.async_copy(outb2, me_o.at[s, pl.ds(col0, half)], sem3)

        pltpu.sync_copy(nm_i.at[pl.ds(col0, half)], idxb)
        nm_dma.wait()
        pe_dma.wait()
        gather_rows(row_nm, outb)
        pltpu.sync_copy(outb, ne_o.at[s, pl.ds(col0, half)])
        me_dma.wait()

    return gather_k(pgT, mtT, nmT, page_idx, mat_idx, name_idx)


_HEAD_DIMS = (1, 3, 3, 3, 8, 1000, 3, 4)


def _tc_heads(xT, peT, meT, neT, posT, dirT, evtT, ws_list, bsT, wnT, bnT):
    b = xT.shape[1]
    bm = 2048
    grid = (b // bm,)

    def body(xT_r, peT_r, meT_r, neT_r, posT_r, dirT_r, evtT_r,
             w0_r, w1_r, w2_r, w3_r, w4_r, w5_r, w6_r,
             bsT_r, wnT_r, bnT_r, *out_refs):
        hT = jnp.concatenate(
            [xT_r[...], peT_r[...], meT_r[...], neT_r[...],
             posT_r[...], dirT_r[...], evtT_r[...]], axis=0)
        wsT = jnp.concatenate(
            [w0_r[...], w1_r[...], w2_r[...], w3_r[...],
             w4_r[...], w5_r[...], w6_r[...]], axis=0)
        acc_s = jax.lax.dot_general(
            wsT, hT, (((1,), (0,)), ((), ())),
            preferred_element_type=jnp.float32) + bsT_r[...]
        acc_n = jax.lax.dot_general(
            wnT_r[...], hT, (((1,), (0,)), ((), ())),
            preferred_element_type=jnp.float32) + bnT_r[...]
        off = 0
        for ref, dim in zip(out_refs, _HEAD_DIMS):
            if dim == 1000:
                ref[...] = acc_n
            else:
                ref[...] = acc_s[off:off + dim, :]
                off += dim

    col = lambda i: (0, i)
    rep = lambda i: (0, 0)
    outs = pl.pallas_call(
        body,
        grid=grid,
        in_specs=[
            pl.BlockSpec((64, bm), col),
            pl.BlockSpec((16, bm), col),
            pl.BlockSpec((16, bm), col),
            pl.BlockSpec((16, bm), col),
            pl.BlockSpec((3, bm), col),
            pl.BlockSpec((1, bm), col),
            pl.BlockSpec((1, bm), col),
            pl.BlockSpec((1, 117), rep),
            pl.BlockSpec((3, 117), rep),
            pl.BlockSpec((3, 117), rep),
            pl.BlockSpec((3, 117), rep),
            pl.BlockSpec((8, 117), rep),
            pl.BlockSpec((3, 117), rep),
            pl.BlockSpec((4, 117), rep),
            pl.BlockSpec((25, 1), rep),
            pl.BlockSpec((1000, 117), rep),
            pl.BlockSpec((1000, 1), rep),
        ],
        out_specs=[pl.BlockSpec((d, bm), col) for d in _HEAD_DIMS],
        out_shape=[jax.ShapeDtypeStruct((d, b), jnp.float32)
                   for d in _HEAD_DIMS],
        compiler_params=pltpu.CompilerParams(
            dimension_semantics=("arbitrary",),
        ),
    )(xT, peT, meT, neT, posT, dirT, evtT, *ws_list, bsT, wnT, bnT)
    return outs


def kernel(x, PageName, MaterialName, Name, Position, Direction, event_type,
           emb_page, emb_mat, emb_name,
           W_time, b_time, W_inputs, b_inputs, W_position, b_position,
           W_velocity, b_velocity, W_event_type, b_event_type,
           W_block_name, b_block_name, W_block_position, b_block_position,
           W_block_direction, b_block_direction):
    peT, meT, neT = _sc_gather3(emb_page.T, emb_mat.T, emb_name.T,
                                PageName, MaterialName, Name)

    ws_list = [W_time.T, W_inputs.T, W_position.T, W_velocity.T,
               W_event_type.T, W_block_position.T, W_block_direction.T]
    bsT = jnp.concatenate(
        [b_time, b_inputs, b_position, b_velocity, b_event_type,
         b_block_position, b_block_direction], axis=0)[:, None]

    outs = _tc_heads(
        x.T, peT, meT, neT,
        Position.T, Direction[None, :], event_type[None, :],
        ws_list, bsT, W_block_name.T, b_block_name[:, None])
    o_time, o_inputs, o_position, o_velocity, o_event, o_name, o_bpos, o_bdir = outs
    return (o_time.T, o_inputs.T, o_position.T, o_velocity.T, o_event.T,
            o_name.T, o_bpos.T, o_bdir.T)

# --- scband reference (transcript-rebuilt; emitter-appended) ---
"""Pipeline reference for scband-basic-trackmania-nn-53223234732239 (READ-ONLY COPY).

The authoritative reference and input builder live on the scoring server;
editing this copy changes nothing except your own understanding.
"""

import jax, jax.numpy as jnp
import numpy as np

B = 16384
XD = 64
ED = 16
V_PAGE = 1000
V_MAT = 1000
V_NAME = 100000
D_IN = XD + 3 * ED + 3 + 1 + 1  # 117
HEADS = [("time", 1), ("inputs", 3), ("position", 3), ("velocity", 3), ("event_type", 8), ("block_name", 1000), ("block_position", 3), ("block_direction", 4)]


def setup_inputs(seed: int = 0):
    key = jax.random.key(seed)
    ks = jax.random.split(key, 32)
    inp = {}
    inp["x"] = jax.random.normal(ks[0], (B, XD), dtype=jnp.float32)
    inp["PageName"] = jax.random.randint(ks[1], (B,), 0, V_PAGE, dtype=jnp.int32)
    inp["MaterialName"] = jax.random.randint(ks[2], (B,), 0, V_MAT, dtype=jnp.int32)
    inp["Name"] = jax.random.randint(ks[3], (B,), 0, V_NAME, dtype=jnp.int32)
    inp["Position"] = jax.random.normal(ks[4], (B, 3), dtype=jnp.float32)
    inp["Direction"] = jax.random.normal(ks[5], (B,), dtype=jnp.float32)
    inp["event_type"] = jax.random.normal(ks[6], (B,), dtype=jnp.float32)
    inp["emb_page"] = jax.random.normal(ks[7], (V_PAGE, ED), dtype=jnp.float32) * 0.02
    inp["emb_mat"] = jax.random.normal(ks[8], (V_MAT, ED), dtype=jnp.float32) * 0.02
    inp["emb_name"] = jax.random.normal(ks[9], (V_NAME, ED), dtype=jnp.float32) * 0.02
    for i, (name, dim) in enumerate(HEADS):
        inp["W_" + name] = jax.random.normal(ks[10 + i], (D_IN, dim), dtype=jnp.float32) * (1.0 / np.sqrt(D_IN))
        inp["b_" + name] = jnp.zeros((dim,), dtype=jnp.float32)
    return inp


def reference(x, PageName, MaterialName, Name, Position, Direction, event_type,
              emb_page, emb_mat, emb_name,
              W_time, b_time, W_inputs, b_inputs, W_position, b_position,
              W_velocity, b_velocity, W_event_type, b_event_type,
              W_block_name, b_block_name, W_block_position, b_block_position,
              W_block_direction, b_block_direction):
    pe = jnp.take(emb_page, PageName, axis=0)
    me = jnp.take(emb_mat, MaterialName, axis=0)
    ne = jnp.take(emb_name, Name, axis=0)
    block_embeddings = jnp.concatenate([pe, me, ne], axis=-1)
    block_features = jnp.concatenate([block_embeddings, Position, Direction[..., None]], axis=-1)
    h = jnp.concatenate([x, block_features, event_type[..., None]], axis=-1)
    out_time = h @ W_time + b_time
    out_inputs = h @ W_inputs + b_inputs
    out_position = h @ W_position + b_position
    out_velocity = h @ W_velocity + b_velocity
    out_event_type = h @ W_event_type + b_event_type
    out_block_name = h @ W_block_name + b_block_name
    out_block_position = h @ W_block_position + b_block_position
    out_block_direction = h @ W_block_direction + b_block_direction
    return (out_time, out_inputs, out_position, out_velocity, out_event_type,
            out_block_name, out_block_position, out_block_direction)

if __name__ == "__main__":
    import jax
    _d = setup_inputs()
    print(jax.jit(kernel)(*tuple(_d.values())))

</pallas_src>

<mosaic_0001>
#map = affine_map<(d0, d1) -> (0, 0)>
#map1 = affine_map<(d0, d1) -> (0)>
module attributes {stable_mosaic.version = 14 : i64} {
  func.func @gather_k(%arg0: i32, %arg1: i32, %arg2: memref<16x1000xf32, #tpu.memory_space<hbm>>, %arg3: memref<16x1000xf32, #tpu.memory_space<hbm>>, %arg4: memref<16x100000xf32, #tpu.memory_space<hbm>>, %arg5: memref<16384xi32, #tpu.memory_space<hbm>>, %arg6: memref<16384xi32, #tpu.memory_space<hbm>>, %arg7: memref<16384xi32, #tpu.memory_space<hbm>>, %arg8: memref<16x16384xf32, #tpu.memory_space<hbm>>, %arg9: memref<16x16384xf32, #tpu.memory_space<hbm>>, %arg10: memref<16x16384xf32, #tpu.memory_space<hbm>>, %arg11: memref<100000xf32, #tpu.memory_space<vmem>>, %arg12: memref<1000xf32, #tpu.memory_space<vmem>>, %arg13: memref<1000xf32, #tpu.memory_space<vmem>>, %arg14: memref<8192xi32, #tpu.memory_space<vmem>>, %arg15: memref<8192xf32, #tpu.memory_space<vmem>>, %arg16: memref<8192xf32, #tpu.memory_space<vmem>>, %arg17: memref<!tpu.dma_semaphore, #tpu.memory_space<semaphore_mem>>, %arg18: memref<!tpu.dma_semaphore, #tpu.memory_space<semaphore_mem>>, %arg19: memref<!tpu.dma_semaphore, #tpu.memory_space<semaphore_mem>>) attributes {dimension_semantics = [#tpu.dimension_semantics<core_parallel>, #tpu.dimension_semantics<subcore_parallel>], iteration_bounds = array<i64: 2, 16>, scalar_prefetch = 0 : i64, scratch_operands = 9 : i64, tpu.core_type = #tpu.core_type<sc_vector_subcore>, window_params = [{transform_indices = #map}, {transform_indices = #map}, {transform_indices = #map}, {transform_indices = #map1}, {transform_indices = #map1}, {transform_indices = #map1}, {transform_indices = #map}, {transform_indices = #map}, {transform_indices = #map}]} {
    %mul3A = arith.constant 8192 : i32
    %mul3A_0 = arith.muli %arg0, %mul3A : i32
    %dma_start3A = arith.constant 0 : i32
    %dma_start3A_1 = tpu.memref_slice %arg4[%arg1, %dma_start3A] : memref<16x100000xf32, #tpu.memory_space<hbm>> -> memref<1x100000xf32, #tpu.memory_space<hbm>>
    %dma_start3A_2 = tpu.memref_squeeze %dma_start3A_1 : memref<1x100000xf32, #tpu.memory_space<hbm>> -> memref<100000xf32, #tpu.memory_space<hbm>>
    %dma_start3A_3 = arith.constant 0 : i32
    %dma_start3A_4 = tpu.memref_slice %arg4[%arg1, %dma_start3A_3] : memref<16x100000xf32, #tpu.memory_space<hbm>> -> memref<1x100000xf32, #tpu.memory_space<hbm>>
    %dma_start3A_5 = tpu.memref_squeeze %dma_start3A_4 : memref<1x100000xf32, #tpu.memory_space<hbm>> -> memref<100000xf32, #tpu.memory_space<hbm>>
    tpu.enqueue_dma source(%dma_start3A_5 : memref<100000xf32, #tpu.memory_space<hbm>>) target(%arg11 : memref<100000xf32, #tpu.memory_space<vmem>>) target_semaphore(%arg17 : memref<!tpu.dma_semaphore, #tpu.memory_space<semaphore_mem>>)
    "tpu.region"() ({
      %run_scoped3A = tpu.sem_alloc : memref<!tpu.dma_semaphore, #tpu.memory_space<semaphore_mem>>
      %dma_start3A_35 = arith.constant 0 : i32
      %dma_start3A_36 = tpu.memref_slice %arg2[%arg1, %dma_start3A_35] : memref<16x1000xf32, #tpu.memory_space<hbm>> -> memref<1x1000xf32, #tpu.memory_space<hbm>>
      %dma_start3A_37 = tpu.memref_squeeze %dma_start3A_36 : memref<1x1000xf32, #tpu.memory_space<hbm>> -> memref<1000xf32, #tpu.memory_space<hbm>>
      %dma_start3A_38 = arith.constant 0 : i32
      %dma_start3A_39 = tpu.memref_slice %arg2[%arg1, %dma_start3A_38] : memref<16x1000xf32, #tpu.memory_space<hbm>> -> memref<1x1000xf32, #tpu.memory_space<hbm>>
      %dma_start3A_40 = tpu.memref_squeeze %dma_start3A_39 : memref<1x1000xf32, #tpu.memory_space<hbm>> -> memref<1000xf32, #tpu.memory_space<hbm>>
      tpu.enqueue_dma source(%dma_start3A_40 : memref<1000xf32, #tpu.memory_space<hbm>>) target(%arg12 : memref<1000xf32, #tpu.memory_space<vmem>>) target_semaphore(%run_scoped3A : memref<!tpu.dma_semaphore, #tpu.memory_space<semaphore_mem>>)
      %dma_wait3A_41 = arith.constant 0 : i32
      %dma_wait3A_42 = tpu.memref_slice %arg2[%arg1, %dma_wait3A_41] : memref<16x1000xf32, #tpu.memory_space<hbm>> -> memref<1x1000xf32, #tpu.memory_space<hbm>>
      %dma_wait3A_43 = tpu.memref_squeeze %dma_wait3A_42 : memref<1x1000xf32, #tpu.memory_space<hbm>> -> memref<1000xf32, #tpu.memory_space<hbm>>
      %dma_wait3A_44 = arith.constant 0 : i32
      %dma_wait3A_45 = tpu.memref_slice %arg2[%arg1, %dma_wait3A_44] : memref<16x1000xf32, #tpu.memory_space<hbm>> -> memref<1x1000xf32, #tpu.memory_space<hbm>>
      %dma_wait3A_46 = tpu.memref_squeeze %dma_wait3A_45 : memref<1x1000xf32, #tpu.memory_space<hbm>> -> memref<1000xf32, #tpu.memory_space<hbm>>
      tpu.wait_dma2 semaphore(%run_scoped3A : memref<!tpu.dma_semaphore, #tpu.memory_space<semaphore_mem>>) src(%dma_wait3A_46 : memref<1000xf32, #tpu.memory_space<hbm>>) dst(%arg12 : memref<1000xf32, #tpu.memory_space<vmem>>)
      tpu.yield
    }) : () -> ()
    "tpu.region"() ({
      %run_scoped3A = tpu.sem_alloc : memref<!tpu.dma_semaphore, #tpu.memory_space<semaphore_mem>>
      %dma_start3A_35 = tpu.memref_slice %arg5[%mul3A_0] : memref<16384xi32, #tpu.memory_space<hbm>> -> memref<8192xi32, #tpu.memory_space<hbm>>
      %dma_start3A_36 = tpu.memref_slice %arg5[%mul3A_0] : memref<16384xi32, #tpu.memory_space<hbm>> -> memref<8192xi32, #tpu.memory_space<hbm>>
      tpu.enqueue_dma source(%dma_start3A_36 : memref<8192xi32, #tpu.memory_space<hbm>>) target(%arg14 : memref<8192xi32, #tpu.memory_space<vmem>>) target_semaphore(%run_scoped3A : memref<!tpu.dma_semaphore, #tpu.memory_space<semaphore_mem>>)
      %dma_wait3A_37 = tpu.memref_slice %arg5[%mul3A_0] : memref<16384xi32, #tpu.memory_space<hbm>> -> memref<8192xi32, #tpu.memory_space<hbm>>
      %dma_wait3A_38 = tpu.memref_slice %arg5[%mul3A_0] : memref<16384xi32, #tpu.memory_space<hbm>> -> memref<8192xi32, #tpu.memory_space<hbm>>
      tpu.wait_dma2 semaphore(%run_scoped3A : memref<!tpu.dma_semaphore, #tpu.memory_space<semaphore_mem>>) src(%dma_wait3A_38 : memref<8192xi32, #tpu.memory_space<hbm>>) dst(%arg14 : memref<8192xi32, #tpu.memory_space<vmem>>)
      tpu.yield
    }) : () -> ()
    %parallel_loop3A = arith.constant 0 : i32
    %parallel_loop3A_6 = arith.constant 512 : i32
    %parallel_loop3A_7 = arith.constant 1 : i32
    scf.for %parallel_loop3A_35 = %parallel_loop3A to %parallel_loop3A_6 step %parallel_loop3A_7  : i32 {
      %parallel_loop3A_36 = arith.constant 16 : i32
      %parallel_loop3A_37 = arith.muli %parallel_loop3A_35, %parallel_loop3A_36 : i32
      %parallel_loop3A_38 = arith.index_cast %parallel_loop3A_37 : i32 to index
      %parallel_loop3A_39 = tpu.vector_load %arg14[%parallel_loop3A_38] {strides = array<i32>} : memref<8192xi32, #tpu.memory_space<vmem>>, vector<16xi32>,
      %parallel_loop3A_40 = tpu.vector_load_idx %arg12[%parallel_loop3A_39] : memref<1000xf32, #tpu.memory_space<vmem>>[vector<16xi32>], vector<16xf32>,
      %parallel_loop3A_41 = arith.constant 16 : i32
      %parallel_loop3A_42 = arith.muli %parallel_loop3A_35, %parallel_loop3A_41 : i32
      %parallel_loop3A_43 = arith.index_cast %parallel_loop3A_42 : i32 to index
      %parallel_loop3A_44 = tpu.vector_load %arg15[%parallel_loop3A_43] {strides = array<i32>} : memref<8192xf32, #tpu.memory_space<vmem>>, vector<16xf32>,
      tpu.vector_store %arg15[%parallel_loop3A_43], %parallel_loop3A_40 {strides = array<i32>} : memref<8192xf32, #tpu.memory_space<vmem>>, vector<16xf32>,
    } {sc.loop_unroll_factor = 4 : i64, sc.parallel_access}
    %dma_start3A_8 = tpu.memref_slice %arg8[%arg1, %mul3A_0] : memref<16x16384xf32, #tpu.memory_space<hbm>> -> memref<1x8192xf32, #tpu.memory_space<hbm>>
    %dma_start3A_9 = tpu.memref_squeeze %dma_start3A_8 : memref<1x8192xf32, #tpu.memory_space<hbm>> -> memref<8192xf32, #tpu.memory_space<hbm>>
    %dma_start3A_10 = tpu.memref_slice %arg8[%arg1, %mul3A_0] : memref<16x16384xf32, #tpu.memory_space<hbm>> -> memref<1x8192xf32, #tpu.memory_space<hbm>>
    %dma_start3A_11 = tpu.memref_squeeze %dma_start3A_10 : memref<1x8192xf32, #tpu.memory_space<hbm>> -> memref<8192xf32, #tpu.memory_space<hbm>>
    tpu.enqueue_dma source(%arg15 : memref<8192xf32, #tpu.memory_space<vmem>>) target(%dma_start3A_11 : memref<8192xf32, #tpu.memory_space<hbm>>) target_semaphore(%arg18 : memref<!tpu.dma_semaphore, #tpu.memory_space<semaphore_mem>>)
    "tpu.region"() ({
      %run_scoped3A = tpu.sem_alloc : memref<!tpu.dma_semaphore, #tpu.memory_space<semaphore_mem>>
      %dma_start3A_35 = arith.constant 0 : i32
      %dma_start3A_36 = tpu.memref_slice %arg3[%arg1, %dma_start3A_35] : memref<16x1000xf32, #tpu.memory_space<hbm>> -> memref<1x1000xf32, #tpu.memory_space<hbm>>
      %dma_start3A_37 = tpu.memref_squeeze %dma_start3A_36 : memref<1x1000xf32, #tpu.memory_space<hbm>> -> memref<1000xf32, #tpu.memory_space<hbm>>
      %dma_start3A_38 = arith.constant 0 : i32
      %dma_start3A_39 = tpu.memref_slice %arg3[%arg1, %dma_start3A_38] : memref<16x1000xf32, #tpu.memory_space<hbm>> -> memref<1x1000xf32, #tpu.memory_space<hbm>>
      %dma_start3A_40 = tpu.memref_squeeze %dma_start3A_39 : memref<1x1000xf32, #tpu.memory_space<hbm>> -> memref<1000xf32, #tpu.memory_space<hbm>>
      tpu.enqueue_dma source(%dma_start3A_40 : memref<1000xf32, #tpu.memory_space<hbm>>) target(%arg13 : memref<1000xf32, #tpu.memory_space<vmem>>) target_semaphore(%run_scoped3A : memref<!tpu.dma_semaphore, #tpu.memory_space<semaphore_mem>>)
      %dma_wait3A_41 = arith.constant 0 : i32
      %dma_wait3A_42 = tpu.memref_slice %arg3[%arg1, %dma_wait3A_41] : memref<16x1000xf32, #tpu.memory_space<hbm>> -> memref<1x1000xf32, #tpu.memory_space<hbm>>
      %dma_wait3A_43 = tpu.memref_squeeze %dma_wait3A_42 : memref<1x1000xf32, #tpu.memory_space<hbm>> -> memref<1000xf32, #tpu.memory_space<hbm>>
      %dma_wait3A_44 = arith.constant 0 : i32
      %dma_wait3A_45 = tpu.memref_slice %arg3[%arg1, %dma_wait3A_44] : memref<16x1000xf32, #tpu.memory_space<hbm>> -> memref<1x1000xf32, #tpu.memory_space<hbm>>
      %dma_wait3A_46 = tpu.memref_squeeze %dma_wait3A_45 : memref<1x1000xf32, #tpu.memory_space<hbm>> -> memref<1000xf32, #tpu.memory_space<hbm>>
      tpu.wait_dma2 semaphore(%run_scoped3A : memref<!tpu.dma_semaphore, #tpu.memory_space<semaphore_mem>>) src(%dma_wait3A_46 : memref<1000xf32, #tpu.memory_space<hbm>>) dst(%arg13 : memref<1000xf32, #tpu.memory_space<vmem>>)
      tpu.yield
    }) : () -> ()
    "tpu.region"() ({
      %run_scoped3A = tpu.sem_alloc : memref<!tpu.dma_semaphore, #tpu.memory_space<semaphore_mem>>
      %dma_start3A_35 = tpu.memref_slice %arg6[%mul3A_0] : memref<16384xi32, #tpu.memory_space<hbm>> -> memref<8192xi32, #tpu.memory_space<hbm>>
      %dma_start3A_36 = tpu.memref_slice %arg6[%mul3A_0] : memref<16384xi32, #tpu.memory_space<hbm>> -> memref<8192xi32, #tpu.memory_space<hbm>>
      tpu.enqueue_dma source(%dma_start3A_36 : memref<8192xi32, #tpu.memory_space<hbm>>) target(%arg14 : memref<8192xi32, #tpu.memory_space<vmem>>) target_semaphore(%run_scoped3A : memref<!tpu.dma_semaphore, #tpu.memory_space<semaphore_mem>>)
      %dma_wait3A_37 = tpu.memref_slice %arg6[%mul3A_0] : memref<16384xi32, #tpu.memory_space<hbm>> -> memref<8192xi32, #tpu.memory_space<hbm>>
      %dma_wait3A_38 = tpu.memref_slice %arg6[%mul3A_0] : memref<16384xi32, #tpu.memory_space<hbm>> -> memref<8192xi32, #tpu.memory_space<hbm>>
      tpu.wait_dma2 semaphore(%run_scoped3A : memref<!tpu.dma_semaphore, #tpu.memory_space<semaphore_mem>>) src(%dma_wait3A_38 : memref<8192xi32, #tpu.memory_space<hbm>>) dst(%arg14 : memref<8192xi32, #tpu.memory_space<vmem>>)
      tpu.yield
    }) : () -> ()
    %parallel_loop3A_12 = arith.constant 0 : i32
    %parallel_loop3A_13 = arith.constant 512 : i32
    %parallel_loop3A_14 = arith.constant 1 : i32
    scf.for %parallel_loop3A_35 = %parallel_loop3A_12 to %parallel_loop3A_13 step %parallel_loop3A_14  : i32 {
      %parallel_loop3A_36 = arith.constant 16 : i32
      %parallel_loop3A_37 = arith.muli %parallel_loop3A_35, %parallel_loop3A_36 : i32
      %parallel_loop3A_38 = arith.index_cast %parallel_loop3A_37 : i32 to index
      %parallel_loop3A_39 = tpu.vector_load %arg14[%parallel_loop3A_38] {strides = array<i32>} : memref<8192xi32, #tpu.memory_space<vmem>>, vector<16xi32>,
      %parallel_loop3A_40 = tpu.vector_load_idx %arg13[%parallel_loop3A_39] : memref<1000xf32, #tpu.memory_space<vmem>>[vector<16xi32>], vector<16xf32>,
      %parallel_loop3A_41 = arith.constant 16 : i32
      %parallel_loop3A_42 = arith.muli %parallel_loop3A_35, %parallel_loop3A_41 : i32
      %parallel_loop3A_43 = arith.index_cast %parallel_loop3A_42 : i32 to index
      %parallel_loop3A_44 = tpu.vector_load %arg16[%parallel_loop3A_43] {strides = array<i32>} : memref<8192xf32, #tpu.memory_space<vmem>>, vector<16xf32>,
      tpu.vector_store %arg16[%parallel_loop3A_43], %parallel_loop3A_40 {strides = array<i32>} : memref<8192xf32, #tpu.memory_space<vmem>>, vector<16xf32>,
    } {sc.loop_unroll_factor = 4 : i64, sc.parallel_access}
    %dma_start3A_15 = tpu.memref_slice %arg9[%arg1, %mul3A_0] : memref<16x16384xf32, #tpu.memory_space<hbm>> -> memref<1x8192xf32, #tpu.memory_space<hbm>>
    %dma_start3A_16 = tpu.memref_squeeze %dma_start3A_15 : memref<1x8192xf32, #tpu.memory_space<hbm>> -> memref<8192xf32, #tpu.memory_space<hbm>>
    %dma_start3A_17 = tpu.memref_slice %arg9[%arg1, %mul3A_0] : memref<16x16384xf32, #tpu.memory_space<hbm>> -> memref<1x8192xf32, #tpu.memory_space<hbm>>
    %dma_start3A_18 = tpu.memref_squeeze %dma_start3A_17 : memref<1x8192xf32, #tpu.memory_space<hbm>> -> memref<8192xf32, #tpu.memory_space<hbm>>
    tpu.enqueue_dma source(%arg16 : memref<8192xf32, #tpu.memory_space<vmem>>) target(%dma_start3A_18 : memref<8192xf32, #tpu.memory_space<hbm>>) target_semaphore(%arg19 : memref<!tpu.dma_semaphore, #tpu.memory_space<semaphore_mem>>)
    "tpu.region"() ({
      %run_scoped3A = tpu.sem_alloc : memref<!tpu.dma_semaphore, #tpu.memory_space<semaphore_mem>>
      %dma_start3A_35 = tpu.memref_slice %arg7[%mul3A_0] : memref<16384xi32, #tpu.memory_space<hbm>> -> memref<8192xi32, #tpu.memory_space<hbm>>
      %dma_start3A_36 = tpu.memref_slice %arg7[%mul3A_0] : memref<16384xi32, #tpu.memory_space<hbm>> -> memref<8192xi32, #tpu.memory_space<hbm>>
      tpu.enqueue_dma source(%dma_start3A_36 : memref<8192xi32, #tpu.memory_space<hbm>>) target(%arg14 : memref<8192xi32, #tpu.memory_space<vmem>>) target_semaphore(%run_scoped3A : memref<!tpu.dma_semaphore, #tpu.memory_space<semaphore_mem>>)
      %dma_wait3A_37 = tpu.memref_slice %arg7[%mul3A_0] : memref<16384xi32, #tpu.memory_space<hbm>> -> memref<8192xi32, #tpu.memory_space<hbm>>
      %dma_wait3A_38 = tpu.memref_slice %arg7[%mul3A_0] : memref<16384xi32, #tpu.memory_space<hbm>> -> memref<8192xi32, #tpu.memory_space<hbm>>
      tpu.wait_dma2 semaphore(%run_scoped3A : memref<!tpu.dma_semaphore, #tpu.memory_space<semaphore_mem>>) src(%dma_wait3A_38 : memref<8192xi32, #tpu.memory_space<hbm>>) dst(%arg14 : memref<8192xi32, #tpu.memory_space<vmem>>)
      tpu.yield
    }) : () -> ()
    %dma_wait3A = arith.constant 0 : i32
    %dma_wait3A_19 = tpu.memref_slice %arg4[%arg1, %dma_wait3A] : memref<16x100000xf32, #tpu.memory_space<hbm>> -> memref<1x100000xf32, #tpu.memory_space<hbm>>
    %dma_wait3A_20 = tpu.memref_squeeze %dma_wait3A_19 : memref<1x100000xf32, #tpu.memory_space<hbm>> -> memref<100000xf32, #tpu.memory_space<hbm>>
    %dma_wait3A_21 = arith.constant 0 : i32
    %dma_wait3A_22 = tpu.memref_slice %arg4[%arg1, %dma_wait3A_21] : memref<16x100000xf32, #tpu.memory_space<hbm>> -> memref<1x100000xf32, #tpu.memory_space<hbm>>
    %dma_wait3A_23 = tpu.memref_squeeze %dma_wait3A_22 : memref<1x100000xf32, #tpu.memory_space<hbm>> -> memref<100000xf32, #tpu.memory_space<hbm>>
    tpu.wait_dma2 semaphore(%arg17 : memref<!tpu.dma_semaphore, #tpu.memory_space<semaphore_mem>>) src(%dma_wait3A_23 : memref<100000xf32, #tpu.memory_space<hbm>>) dst(%arg11 : memref<100000xf32, #tpu.memory_space<vmem>>)
    %dma_wait3A_24 = tpu.memref_slice %arg8[%arg1, %mul3A_0] : memref<16x16384xf32, #tpu.memory_space<hbm>> -> memref<1x8192xf32, #tpu.memory_space<hbm>>
    %dma_wait3A_25 = tpu.memref_squeeze %dma_wait3A_24 : memref<1x8192xf32, #tpu.memory_space<hbm>> -> memref<8192xf32, #tpu.memory_space<hbm>>
    %dma_wait3A_26 = tpu.memref_slice %arg8[%arg1, %mul3A_0] : memref<16x16384xf32, #tpu.memory_space<hbm>> -> memref<1x8192xf32, #tpu.memory_space<hbm>>
    %dma_wait3A_27 = tpu.memref_squeeze %dma_wait3A_26 : memref<1x8192xf32, #tpu.memory_space<hbm>> -> memref<8192xf32, #tpu.memory_space<hbm>>
    tpu.wait_dma2 semaphore(%arg18 : memref<!tpu.dma_semaphore, #tpu.memory_space<semaphore_mem>>) src(%arg15 : memref<8192xf32, #tpu.memory_space<vmem>>) dst(%dma_wait3A_27 : memref<8192xf32, #tpu.memory_space<hbm>>)
    %parallel_loop3A_28 = arith.constant 0 : i32
    %parallel_loop3A_29 = arith.constant 512 : i32
    %parallel_loop3A_30 = arith.constant 1 : i32
    scf.for %parallel_loop3A_35 = %parallel_loop3A_28 to %parallel_loop3A_29 step %parallel_loop3A_30  : i32 {
      %parallel_loop3A_36 = arith.constant 16 : i32
      %parallel_loop3A_37 = arith.muli %parallel_loop3A_35, %parallel_loop3A_36 : i32
      %parallel_loop3A_38 = arith.index_cast %parallel_loop3A_37 : i32 to index
      %parallel_loop3A_39 = tpu.vector_load %arg14[%parallel_loop3A_38] {strides = array<i32>} : memref<8192xi32, #tpu.memory_space<vmem>>, vector<16xi32>,
      %parallel_loop3A_40 = tpu.vector_load_idx %arg11[%parallel_loop3A_39] : memref<100000xf32, #tpu.memory_space<vmem>>[vector<16xi32>], vector<16xf32>,
      %parallel_loop3A_41 = arith.constant 16 : i32
      %parallel_loop3A_42 = arith.muli %parallel_loop3A_35, %parallel_loop3A_41 : i32
      %parallel_loop3A_43 = arith.index_cast %parallel_loop3A_42 : i32 to index
      %parallel_loop3A_44 = tpu.vector_load %arg15[%parallel_loop3A_43] {strides = array<i32>} : memref<8192xf32, #tpu.memory_space<vmem>>, vector<16xf32>,
      tpu.vector_store %arg15[%parallel_loop3A_43], %parallel_loop3A_40 {strides = array<i32>} : memref<8192xf32, #tpu.memory_space<vmem>>, vector<16xf32>,
    } {sc.loop_unroll_factor = 4 : i64, sc.parallel_access}
    "tpu.region"() ({
      %run_scoped3A = tpu.sem_alloc : memref<!tpu.dma_semaphore, #tpu.memory_space<semaphore_mem>>
      %dma_start3A_35 = tpu.memref_slice %arg10[%arg1, %mul3A_0] : memref<16x16384xf32, #tpu.memory_space<hbm>> -> memref<1x8192xf32, #tpu.memory_space<hbm>>
      %dma_start3A_36 = tpu.memref_squeeze %dma_start3A_35 : memref<1x8192xf32, #tpu.memory_space<hbm>> -> memref<8192xf32, #tpu.memory_space<hbm>>
      %dma_start3A_37 = tpu.memref_slice %arg10[%arg1, %mul3A_0] : memref<16x16384xf32, #tpu.memory_space<hbm>> -> memref<1x8192xf32, #tpu.memory_space<hbm>>
      %dma_start3A_38 = tpu.memref_squeeze %dma_start3A_37 : memref<1x8192xf32, #tpu.memory_space<hbm>> -> memref<8192xf32, #tpu.memory_space<hbm>>
      tpu.enqueue_dma source(%arg15 : memref<8192xf32, #tpu.memory_space<vmem>>) target(%dma_start3A_38 : memref<8192xf32, #tpu.memory_space<hbm>>) target_semaphore(%run_scoped3A : memref<!tpu.dma_semaphore, #tpu.memory_space<semaphore_mem>>)
      %dma_wait3A_39 = tpu.memref_slice %arg10[%arg1, %mul3A_0] : memref<16x16384xf32, #tpu.memory_space<hbm>> -> memref<1x8192xf32, #tpu.memory_space<hbm>>
      %dma_wait3A_40 = tpu.memref_squeeze %dma_wait3A_39 : memref<1x8192xf32, #tpu.memory_space<hbm>> -> memref<8192xf32, #tpu.memory_space<hbm>>
      %dma_wait3A_41 = tpu.memref_slice %arg10[%arg1, %mul3A_0] : memref<16x16384xf32, #tpu.memory_space<hbm>> -> memref<1x8192xf32, #tpu.memory_space<hbm>>
      %dma_wait3A_42 = tpu.memref_squeeze %dma_wait3A_41 : memref<1x8192xf32, #tpu.memory_space<hbm>> -> memref<8192xf32, #tpu.memory_space<hbm>>
      tpu.wait_dma2 semaphore(%run_scoped3A : memref<!tpu.dma_semaphore, #tpu.memory_space<semaphore_mem>>) src(%arg15 : memref<8192xf32, #tpu.memory_space<vmem>>) dst(%dma_wait3A_42 : memref<8192xf32, #tpu.memory_space<hbm>>)
      tpu.yield
    }) : () -> ()
    %dma_wait3A_31 = tpu.memref_slice %arg9[%arg1, %mul3A_0] : memref<16x16384xf32, #tpu.memory_space<hbm>> -> memref<1x8192xf32, #tpu.memory_space<hbm>>
    %dma_wait3A_32 = tpu.memref_squeeze %dma_wait3A_31 : memref<1x8192xf32, #tpu.memory_space<hbm>> -> memref<8192xf32, #tpu.memory_space<hbm>>
    %dma_wait3A_33 = tpu.memref_slice %arg9[%arg1, %mul3A_0] : memref<16x16384xf32, #tpu.memory_space<hbm>> -> memref<1x8192xf32, #tpu.memory_space<hbm>>
    %dma_wait3A_34 = tpu.memref_squeeze %dma_wait3A_33 : memref<1x8192xf32, #tpu.memory_space<hbm>> -> memref<8192xf32, #tpu.memory_space<hbm>>
    tpu.wait_dma2 semaphore(%arg19 : memref<!tpu.dma_semaphore, #tpu.memory_space<semaphore_mem>>) src(%arg16 : memref<8192xf32, #tpu.memory_space<vmem>>) dst(%dma_wait3A_34 : memref<8192xf32, #tpu.memory_space<hbm>>)
    return
  }
}

module attributes {stable_mosaic.version = 14 : i64} {
  func.func @body(%arg0: i32, %arg1: memref<64x2048xf32, #tpu.memory_space<vmem>>, %arg2: memref<16x2048xf32, #tpu.memory_space<vmem>>, %arg3: memref<16x2048xf32, #tpu.memory_space<vmem>>, %arg4: memref<16x2048xf32, #tpu.memory_space<vmem>>, %arg5: memref<3x2048xf32, #tpu.memory_space<vmem>>, %arg6: memref<1x2048xf32, #tpu.memory_space<vmem>>, %arg7: memref<1x2048xf32, #tpu.memory_space<vmem>>, %arg8: memref<1x117xf32, #tpu.memory_space<vmem>>, %arg9: memref<3x117xf32, #tpu.memory_space<vmem>>, %arg10: memref<3x117xf32, #tpu.memory_space<vmem>>, %arg11: memref<3x117xf32, #tpu.memory_space<vmem>>, %arg12: memref<8x117xf32, #tpu.memory_space<vmem>>, %arg13: memref<3x117xf32, #tpu.memory_space<vmem>>, %arg14: memref<4x117xf32, #tpu.memory_space<vmem>>, %arg15: memref<25x1xf32, #tpu.memory_space<vmem>>, %arg16: memref<1000x117xf32, #tpu.memory_space<vmem>>, %arg17: memref<1000x1xf32, #tpu.memory_space<vmem>>, %arg18: memref<1x2048xf32, #tpu.memory_space<vmem>>, %arg19: memref<3x2048xf32, #tpu.memory_space<vmem>>, %arg20: memref<3x2048xf32, #tpu.memory_space<vmem>>, %arg21: memref<3x2048xf32, #tpu.memory_space<vmem>>, %arg22: memref<8x2048xf32, #tpu.memory_space<vmem>>, %arg23: memref<1000x2048xf32, #tpu.memory_space<vmem>>, %arg24: memref<3x2048xf32, #tpu.memory_space<vmem>>, %arg25: memref<4x2048xf32, #tpu.memory_space<vmem>>) attributes {dimension_semantics = [#tpu.dimension_semantics<arbitrary>], iteration_bounds = array<i64: 8>, scalar_prefetch = 0 : i64, scratch_operands = 0 : i64, tpu.core_type = #tpu.core_type<tc>, window_params = [{transform_indices = @transform_0, window_bounds = array<i64: 64, 2048>}, {transform_indices = @transform_1, window_bounds = array<i64: 16, 2048>}, {transform_indices = @transform_2, window_bounds = array<i64: 16, 2048>}, {transform_indices = @transform_3, window_bounds = array<i64: 16, 2048>}, {transform_indices = @transform_4, window_bounds = array<i64: 3, 2048>}, {transform_indices = @transform_5, window_bounds = array<i64: 1, 2048>}, {transform_indices = @transform_6, window_bounds = array<i64: 1, 2048>}, {pipeline_mode = #tpu.pipeline_mode<synchronous>, transform_indices = @transform_7, window_bounds = array<i64: 1, 117>}, {pipeline_mode = #tpu.pipeline_mode<synchronous>, transform_indices = @transform_8, window_bounds = array<i64: 3, 117>}, {pipeline_mode = #tpu.pipeline_mode<synchronous>, transform_indices = @transform_9, window_bounds = array<i64: 3, 117>}, {pipeline_mode = #tpu.pipeline_mode<synchronous>, transform_indices = @transform_10, window_bounds = array<i64: 3, 117>}, {pipeline_mode = #tpu.pipeline_mode<synchronous>, transform_indices = @transform_11, window_bounds = array<i64: 8, 117>}, {pipeline_mode = #tpu.pipeline_mode<synchronous>, transform_indices = @transform_12, window_bounds = array<i64: 3, 117>}, {pipeline_mode = #tpu.pipeline_mode<synchronous>, transform_indices = @transform_13, window_bounds = array<i64: 4, 117>}, {pipeline_mode = #tpu.pipeline_mode<synchronous>, transform_indices = @transform_14, window_bounds = array<i64: 25, 1>}, {pipeline_mode = #tpu.pipeline_mode<synchronous>, transform_indices = @transform_15, window_bounds = array<i64: 1000, 117>}, {pipeline_mode = #tpu.pipeline_mode<synchronous>, transform_indices = @transform_16, window_bounds = array<i64: 1000, 1>}, {transform_indices = @transform_17, window_bounds = array<i64: 1, 2048>}, {transform_indices = @transform_18, window_bounds = array<i64: 3, 2048>}, {transform_indices = @transform_19, window_bounds = array<i64: 3, 2048>}, {transform_indices = @transform_20, window_bounds = array<i64: 3, 2048>}, {transform_indices = @transform_21, window_bounds = array<i64: 8, 2048>}, {transform_indices = @transform_22, window_bounds = array<i64: 1000, 2048>}, {transform_indices = @transform_23, window_bounds = array<i64: 3, 2048>}, {transform_indices = @transform_24, window_bounds = array<i64: 4, 2048>}]} {
    %get3A = arith.constant 0 : index
    %get3A_0 = arith.constant 0 : index
    %get3A_1 = vector.load %arg1[%get3A, %get3A_0] : memref<64x2048xf32, #tpu.memory_space<vmem>>, vector<64x2048xf32>
    %get3A_2 = arith.constant 0 : index
    %get3A_3 = arith.constant 0 : index
    %get3A_4 = vector.load %arg2[%get3A_2, %get3A_3] : memref<16x2048xf32, #tpu.memory_space<vmem>>, vector<16x2048xf32>
    %get3A_5 = arith.constant 0 : index
    %get3A_6 = arith.constant 0 : index
    %get3A_7 = vector.load %arg3[%get3A_5, %get3A_6] : memref<16x2048xf32, #tpu.memory_space<vmem>>, vector<16x2048xf32>
    %get3A_8 = arith.constant 0 : index
    %get3A_9 = arith.constant 0 : index
    %get3A_10 = vector.load %arg4[%get3A_8, %get3A_9] : memref<16x2048xf32, #tpu.memory_space<vmem>>, vector<16x2048xf32>
    %get3A_11 = arith.constant 0 : index
    %get3A_12 = arith.constant 0 : index
    %get3A_13 = vector.load %arg5[%get3A_11, %get3A_12] : memref<3x2048xf32, #tpu.memory_space<vmem>>, vector<3x2048xf32>
    %get3A_14 = arith.constant 0 : index
    %get3A_15 = arith.constant 0 : index
    %get3A_16 = vector.load %arg6[%get3A_14, %get3A_15] : memref<1x2048xf32, #tpu.memory_space<vmem>>, vector<1x2048xf32>
    %get3A_17 = arith.constant 0 : index
    %get3A_18 = arith.constant 0 : index
    %get3A_19 = vector.load %arg7[%get3A_17, %get3A_18] : memref<1x2048xf32, #tpu.memory_space<vmem>>, vector<1x2048xf32>
    %concatenate3A = tpu.concatenate %get3A_1, %get3A_4, %get3A_7, %get3A_10, %get3A_13, %get3A_16, %get3A_19 in 0 : vector<64x2048xf32>, vector<16x2048xf32>, vector<16x2048xf32>, vector<16x2048xf32>, vector<3x2048xf32>, vector<1x2048xf32>, vector<1x2048xf32> -> vector<117x2048xf32>
    %get3A_20 = arith.constant 0 : index
    %get3A_21 = arith.constant 0 : index
    %get3A_22 = vector.load %arg8[%get3A_20, %get3A_21] : memref<1x117xf32, #tpu.memory_space<vmem>>, vector<1x117xf32>
    %get3A_23 = arith.constant 0 : index
    %get3A_24 = arith.constant 0 : index
    %get3A_25 = vector.load %arg9[%get3A_23, %get3A_24] : memref<3x117xf32, #tpu.memory_space<vmem>>, vector<3x117xf32>
    %get3A_26 = arith.constant 0 : index
    %get3A_27 = arith.constant 0 : index
    %get3A_28 = vector.load %arg10[%get3A_26, %get3A_27] : memref<3x117xf32, #tpu.memory_space<vmem>>, vector<3x117xf32>
    %get3A_29 = arith.constant 0 : index
    %get3A_30 = arith.constant 0 : index
    %get3A_31 = vector.load %arg11[%get3A_29, %get3A_30] : memref<3x117xf32, #tpu.memory_space<vmem>>, vector<3x117xf32>
    %get3A_32 = arith.constant 0 : index
    %get3A_33 = arith.constant 0 : index
    %get3A_34 = vector.load %arg12[%get3A_32, %get3A_33] : memref<8x117xf32, #tpu.memory_space<vmem>>, vector<8x117xf32>
    %get3A_35 = arith.constant 0 : index
    %get3A_36 = arith.constant 0 : index
    %get3A_37 = vector.load %arg13[%get3A_35, %get3A_36] : memref<3x117xf32, #tpu.memory_space<vmem>>, vector<3x117xf32>
    %get3A_38 = arith.constant 0 : index
    %get3A_39 = arith.constant 0 : index
    %get3A_40 = vector.load %arg14[%get3A_38, %get3A_39] : memref<4x117xf32, #tpu.memory_space<vmem>>, vector<4x117xf32>
    %concatenate3A_41 = tpu.concatenate %get3A_22, %get3A_25, %get3A_28, %get3A_31, %get3A_34, %get3A_37, %get3A_40 in 0 : vector<1x117xf32>, vector<3x117xf32>, vector<3x117xf32>, vector<3x117xf32>, vector<8x117xf32>, vector<3x117xf32>, vector<4x117xf32> -> vector<25x117xf32>
    %dot_general3A = arith.constant dense<0.000000e+00> : vector<25x2048xf32>
    %dot_general3A_42 = tpu.matmul %concatenate3A_41, %concatenate3A, %dot_general3A {dimension_numbers = #tpu.dot_dimension_numbers<[1], [0], [0], [1], [0, 0, 1, 1], [], []>, transpose_lhs_hint = false} : vector<25x117xf32>, vector<117x2048xf32>, vector<25x2048xf32> -> vector<25x2048xf32>
    %get3A_43 = arith.constant 0 : index
    %get3A_44 = arith.constant 0 : index
    %get3A_45 = vector.load %arg15[%get3A_43, %get3A_44] : memref<25x1xf32, #tpu.memory_space<vmem>>, vector<25x1xf32>
    %add3A = vector.broadcast %get3A_45 : vector<25x1xf32> to vector<25x2048xf32>
    %add3A_46 = arith.addf %dot_general3A_42, %add3A : vector<25x2048xf32>
    %get3A_47 = arith.constant 0 : index
    %get3A_48 = arith.constant 0 : index
    %get3A_49 = vector.load %arg16[%get3A_47, %get3A_48] : memref<1000x117xf32, #tpu.memory_space<vmem>>, vector<1000x117xf32>
    %dot_general3A_50 = arith.constant dense<0.000000e+00> : vector<1000x2048xf32>
    %dot_general3A_51 = tpu.matmul %get3A_49, %concatenate3A, %dot_general3A_50 {dimension_numbers = #tpu.dot_dimension_numbers<[1], [0], [0], [1], [0, 0, 1, 1], [], []>, transpose_lhs_hint = false} : vector<1000x117xf32>, vector<117x2048xf32>, vector<1000x2048xf32> -> vector<1000x2048xf32>
    %get3A_52 = arith.constant 0 : index
    %get3A_53 = arith.constant 0 : index
    %get3A_54 = vector.load %arg17[%get3A_52, %get3A_53] : memref<1000x1xf32, #tpu.memory_space<vmem>>, vector<1000x1xf32>
    %add3A_55 = vector.broadcast %get3A_54 : vector<1000x1xf32> to vector<1000x2048xf32>
    %add3A_56 = arith.addf %dot_general3A_51, %add3A_55 : vector<1000x2048xf32>
    %slice3A = vector.extract_strided_slice %add3A_46 {offsets = [0, 0], sizes = [1, 2048], strides = [1, 1]} : vector<25x2048xf32> to vector<1x2048xf32>
    %swap3A = arith.constant 0 : index
    %swap3A_57 = arith.constant 0 : index
    %swap3A_58 = vector.load %arg18[%swap3A, %swap3A_57] : memref<1x2048xf32, #tpu.memory_space<vmem>>, vector<1x2048xf32>
    tpu.vector_store %arg18[%swap3A, %swap3A_57], %slice3A {strides = array<i32>} : memref<1x2048xf32, #tpu.memory_space<vmem>>, vector<1x2048xf32>,
    %slice3A_59 = vector.extract_strided_slice %add3A_46 {offsets = [1, 0], sizes = [3, 2048], strides = [1, 1]} : vector<25x2048xf32> to vector<3x2048xf32>
    %swap3A_60 = arith.constant 0 : index
    %swap3A_61 = arith.constant 0 : index
    %swap3A_62 = vector.load %arg19[%swap3A_60, %swap3A_61] : memref<3x2048xf32, #tpu.memory_space<vmem>>, vector<3x2048xf32>
    tpu.vector_store %arg19[%swap3A_60, %swap3A_61], %slice3A_59 {strides = array<i32>} : memref<3x2048xf32, #tpu.memory_space<vmem>>, vector<3x2048xf32>,
    %slice3A_63 = vector.extract_strided_slice %add3A_46 {offsets = [4, 0], sizes = [3, 2048], strides = [1, 1]} : vector<25x2048xf32> to vector<3x2048xf32>
    %swap3A_64 = arith.constant 0 : index
    %swap3A_65 = arith.constant 0 : index
    %swap3A_66 = vector.load %arg20[%swap3A_64, %swap3A_65] : memref<3x2048xf32, #tpu.memory_space<vmem>>, vector<3x2048xf32>
    tpu.vector_store %arg20[%swap3A_64, %swap3A_65], %slice3A_63 {strides = array<i32>} : memref<3x2048xf32, #tpu.memory_space<vmem>>, vector<3x2048xf32>,
    %slice3A_67 = vector.extract_strided_slice %add3A_46 {offsets = [7, 0], sizes = [3, 2048], strides = [1, 1]} : vector<25x2048xf32> to vector<3x2048xf32>
    %swap3A_68 = arith.constant 0 : index
    %swap3A_69 = arith.constant 0 : index
    %swap3A_70 = vector.load %arg21[%swap3A_68, %swap3A_69] : memref<3x2048xf32, #tpu.memory_space<vmem>>, vector<3x2048xf32>
    tpu.vector_store %arg21[%swap3A_68, %swap3A_69], %slice3A_67 {strides = array<i32>} : memref<3x2048xf32, #tpu.memory_space<vmem>>, vector<3x2048xf32>,
    %slice3A_71 = vector.extract_strided_slice %add3A_46 {offsets = [10, 0], sizes = [8, 2048], strides = [1, 1]} : vector<25x2048xf32> to vector<8x2048xf32>
    %swap3A_72 = arith.constant 0 : index
    %swap3A_73 = arith.constant 0 : index
    %swap3A_74 = vector.load %arg22[%swap3A_72, %swap3A_73] : memref<8x2048xf32, #tpu.memory_space<vmem>>, vector<8x2048xf32>
    tpu.vector_store %arg22[%swap3A_72, %swap3A_73], %slice3A_71 {strides = array<i32>} : memref<8x2048xf32, #tpu.memory_space<vmem>>, vector<8x2048xf32>,
    %swap3A_75 = arith.constant 0 : index
    %swap3A_76 = arith.constant 0 : index
    %swap3A_77 = vector.load %arg23[%swap3A_75, %swap3A_76] : memref<1000x2048xf32, #tpu.memory_space<vmem>>, vector<1000x2048xf32>
    tpu.vector_store %arg23[%swap3A_75, %swap3A_76], %add3A_56 {strides = array<i32>} : memref<1000x2048xf32, #tpu.memory_space<vmem>>, vector<1000x2048xf32>,
    %slice3A_78 = vector.extract_strided_slice %add3A_46 {offsets = [18, 0], sizes = [3, 2048], strides = [1, 1]} : vector<25x2048xf32> to vector<3x2048xf32>
    %swap3A_79 = arith.constant 0 : index
    %swap3A_80 = arith.constant 0 : index
    %swap3A_81 = vector.load %arg24[%swap3A_79, %swap3A_80] : memref<3x2048xf32, #tpu.memory_space<vmem>>, vector<3x2048xf32>
    tpu.vector_store %arg24[%swap3A_79, %swap3A_80], %slice3A_78 {strides = array<i32>} : memref<3x2048xf32, #tpu.memory_space<vmem>>, vector<3x2048xf32>,
    %slice3A_82 = vector.extract_strided_slice %add3A_46 {offsets = [21, 0], sizes = [4, 2048], strides = [1, 1]} : vector<25x2048xf32> to vector<4x2048xf32>
    %swap3A_83 = arith.constant 0 : index
    %swap3A_84 = arith.constant 0 : index
    %swap3A_85 = vector.load %arg25[%swap3A_83, %swap3A_84] : memref<4x2048xf32, #tpu.memory_space<vmem>>, vector<4x2048xf32>
    tpu.vector_store %arg25[%swap3A_83, %swap3A_84], %slice3A_82 {strides = array<i32>} : memref<4x2048xf32, #tpu.memory_space<vmem>>, vector<4x2048xf32>,
    return
  }
  func.func @transform_0(%arg0: i32) -> (i32, i32) {
    %c0_i32 = arith.constant 0 : i32
    %c0_i32_0 = arith.constant 0 : i32
    return %c0_i32, %arg0 : i32, i32
  }
  func.func @transform_1(%arg0: i32) -> (i32, i32) {
    %c0_i32 = arith.constant 0 : i32
    %c0_i32_0 = arith.constant 0 : i32
    return %c0_i32, %arg0 : i32, i32
  }
  func.func @transform_2(%arg0: i32) -> (i32, i32) {
    %c0_i32 = arith.constant 0 : i32
    %c0_i32_0 = arith.constant 0 : i32
    return %c0_i32, %arg0 : i32, i32
  }
  func.func @transform_3(%arg0: i32) -> (i32, i32) {
    %c0_i32 = arith.constant 0 : i32
    %c0_i32_0 = arith.constant 0 : i32
    return %c0_i32, %arg0 : i32, i32
  }
  func.func @transform_4(%arg0: i32) -> (i32, i32) {
    %c0_i32 = arith.constant 0 : i32
    %c0_i32_0 = arith.constant 0 : i32
    return %c0_i32, %arg0 : i32, i32
  }
  func.func @transform_5(%arg0: i32) -> (i32, i32) {
    %c0_i32 = arith.constant 0 : i32
    %c0_i32_0 = arith.constant 0 : i32
    return %c0_i32, %arg0 : i32, i32
  }
  func.func @transform_6(%arg0: i32) -> (i32, i32) {
    %c0_i32 = arith.constant 0 : i32
    %c0_i32_0 = arith.constant 0 : i32
    return %c0_i32, %arg0 : i32, i32
  }
  func.func @transform_7(%arg0: i32) -> (i32, i32) {
    %c0_i32 = arith.constant 0 : i32
    %c0_i32_0 = arith.constant 0 : i32
    %c0_i32_1 = arith.constant 0 : i32
    return %c0_i32, %c0_i32_0 : i32, i32
  }
  func.func @transform_8(%arg0: i32) -> (i32, i32) {
    %c0_i32 = arith.constant 0 : i32
    %c0_i32_0 = arith.constant 0 : i32
    %c0_i32_1 = arith.constant 0 : i32
    return %c0_i32, %c0_i32_0 : i32, i32
  }
  func.func @transform_9(%arg0: i32) -> (i32, i32) {
    %c0_i32 = arith.constant 0 : i32
    %c0_i32_0 = arith.constant 0 : i32
    %c0_i32_1 = arith.constant 0 : i32
    return %c0_i32, %c0_i32_0 : i32, i32
  }
  func.func @transform_10(%arg0: i32) -> (i32, i32) {
    %c0_i32 = arith.constant 0 : i32
    %c0_i32_0 = arith.constant 0 : i32
    %c0_i32_1 = arith.constant 0 : i32
    return %c0_i32, %c0_i32_0 : i32, i32
  }
  func.func @transform_11(%arg0: i32) -> (i32, i32) {
    %c0_i32 = arith.constant 0 : i32
    %c0_i32_0 = arith.constant 0 : i32
    %c0_i32_1 = arith.constant 0 : i32
    return %c0_i32, %c0_i32_0 : i32, i32
  }
  func.func @transform_12(%arg0: i32) -> (i32, i32) {
    %c0_i32 = arith.constant 0 : i32
    %c0_i32_0 = arith.constant 0 : i32
    %c0_i32_1 = arith.constant 0 : i32
    return %c0_i32, %c0_i32_0 : i32, i32
  }
  func.func @transform_13(%arg0: i32) -> (i32, i32) {
    %c0_i32 = arith.constant 0 : i32
    %c0_i32_0 = arith.constant 0 : i32
    %c0_i32_1 = arith.constant 0 : i32
    return %c0_i32, %c0_i32_0 : i32, i32
  }
  func.func @transform_14(%arg0: i32) -> (i32, i32) {
    %c0_i32 = arith.constant 0 : i32
    %c0_i32_0 = arith.constant 0 : i32
    %c0_i32_1 = arith.constant 0 : i32
    return %c0_i32, %c0_i32_0 : i32, i32
  }
  func.func @transform_15(%arg0: i32) -> (i32, i32) {
    %c0_i32 = arith.constant 0 : i32
    %c0_i32_0 = arith.constant 0 : i32
    %c0_i32_1 = arith.constant 0 : i32
    return %c0_i32, %c0_i32_0 : i32, i32
  }
  func.func @transform_16(%arg0: i32) -> (i32, i32) {
    %c0_i32 = arith.constant 0 : i32
    %c0_i32_0 = arith.constant 0 : i32
    %c0_i32_1 = arith.constant 0 : i32
    return %c0_i32, %c0_i32_0 : i32, i32
  }
  func.func @transform_17(%arg0: i32) -> (i32, i32) {
    %c0_i32 = arith.constant 0 : i32
    %c0_i32_0 = arith.constant 0 : i32
    return %c0_i32, %arg0 : i32, i32
  }
  func.func @transform_18(%arg0: i32) -> (i32, i32) {
    %c0_i32 = arith.constant 0 : i32
    %c0_i32_0 = arith.constant 0 : i32
    return %c0_i32, %arg0 : i32, i32
  }
  func.func @transform_19(%arg0: i32) -> (i32, i32) {
    %c0_i32 = arith.constant 0 : i32
    %c0_i32_0 = arith.constant 0 : i32
    return %c0_i32, %arg0 : i32, i32
  }
  func.func @transform_20(%arg0: i32) -> (i32, i32) {
    %c0_i32 = arith.constant 0 : i32
    %c0_i32_0 = arith.constant 0 : i32
    return %c0_i32, %arg0 : i32, i32
  }
  func.func @transform_21(%arg0: i32) -> (i32, i32) {
    %c0_i32 = arith.constant 0 : i32
    %c0_i32_0 = arith.constant 0 : i32
    return %c0_i32, %arg0 : i32, i32
  }
  func.func @transform_22(%arg0: i32) -> (i32, i32) {
    %c0_i32 = arith.constant 0 : i32
    %c0_i32_0 = arith.constant 0 : i32
    return %c0_i32, %arg0 : i32, i32
  }
  func.func @transform_23(%arg0: i32) -> (i32, i32) {
    %c0_i32 = arith.constant 0 : i32
    %c0_i32_0 = arith.constant 0 : i32
    return %c0_i32, %arg0 : i32, i32
  }
  func.func @transform_24(%arg0: i32) -> (i32, i32) {
    %c0_i32 = arith.constant 0 : i32
    %c0_i32_0 = arith.constant 0 : i32
    return %c0_i32, %arg0 : i32, i32
  }
}

</mosaic_0001>

<sc_bundles>
// kernel: kernel.4.cloned.1.call-start
scs
__scs_entry_jumppad:
0x0: {  	(pc) =	sbr.rel $0x88, $3  }
0x1: {  	(tag) =	ssettag $0x0;
	lr =	simm.s32 $0x1  }
0x2: {  	[smem:$0x3F87] =	sst lr;
	_ =	strace $0xD0000000  }
0x3: {  	_ = 	snop  }
0x4: {  	_ = 	snop  }
0x5: {  	_ = 	snop  }
0x6: {  	_ = 	snop  }
0x7: {  	_ = 	snop  }
__scs_overlays_trampoline_lowered:
0x8: {  	[smem:$0x3F96] =	sst s0  }
0x9: {  	[smem:$0x3F97] =	sst s1  }
0xa: {  	[smem:$0x3F98] =	sst s2  }
0xb: {  	[smem:$0x3F99] =	sst s3  }
0xc: {  	[smem:$0x3F9A] =	sst s4  }
0xd: {  	[smem:$0x3F9B] =	sst s5  }
0xe: {  	[smem:$0x3F9C] =	sst s6  }
0xf: {  	[smem:$0x3F9D] =	sst s7  }
0x10: {  	[smem:$0x3F9E] =	sst s8  }
0x11: {  	[smem:$0x3F9F] =	sst s9;
	s0 =	simm.s32 @!p0 $0x0  }
0x12: {  	s1 =	sld [smem:$0x3F85];
	s0 =	simm.s32 @p0 $0x1  }
0x13: {  	[smem:$0x3FA0] =	sst s0;
	s0 =	simm.s32 @!p1 $0x0  }
0x14: {  	s2 =	sld [smem:$0x3F84];
	s0 =	simm.s32 @p1 $0x1  }
0x15: {  	[smem:$0x3FA1] =	sst s0;
	s0 =	simm.s32 @!p2 $0x0  }
0x16: {  	s3 =	sld [smem:$0x3FDB];
	s0 =	simm.s32 @p2 $0x1  }
0x17: {  	s4 =	simm.s32 $0x1BF5;
	[smem:$0x3FA3] =	sst s0  }
0x18: {  	s0 =	sld [smem:$0x3F86];
	_ =	swait.ge [sflag:s4], $0x0  }
0x19: {  	s7 =	sld [smem:$0x3F87]  }
0x1a: {  	s8 =	sadd.s32 $0xFFFFE003, lr  }
0x1b: {  	s9 =	sadd.s32 $0xFFFFFEF7, lr;
	s5 =	simm.s32 $0xFFFFFFFF;
	p2 =	slt.u32 s8, $0xFFFFF086  }
0x1c: {  	p1 =	slt.u32 s9, $0xF7A;
	s5 =	simm.s32 @!p2 $0x0  }
0x1d: {  	s5 =	simm.s32 @p1 $0x1;
	p0 =	seq.s32 s7, s2  }
0x1e: {  	s7 =	smul.u32 @!p0 $0xF7A, s2;
	p2 =	seq.s32 @!p0 s5, $0x0  }
0x1f: {  	s9 =	smul.u32 $0xF7A, s1;
	s8 =	simm.s32 @!p0 $0x1BF5;
	p2 =	por !p2, p0  }
0x20: {  	[sflag:s8] =	ssyncset.s32 @!p0 $0xFFFFF086;
	s6 =	sadd.s32 @!p0 s3, s7;
	s7 =	simm.s32 @!p0 $0x108  }
0x21: {  	s3 =	sadd.s32 s3, s9;
	s6 =	sadd.s32 @!p0 $0x88, s6;
	s7 =	simm.s32 @p2 $0x1082  }
0x22: {  	[simem:s7], [sflag:s8] =	dma.local @!p0 [hbm:s6], $0xF7A  }
0x23: {  	s9 =	sor.u32 $0xD0000000, s2;
	s6 =	simm.s32 $0x108;
	_ =	swait.ge @!p0 [sflag:s8], $0x0  }
0x24: {  	s3 =	sadd.s32 $0x88, s3;
	s6 =	simm.s32 @!p1 $0x1082;
	[sflag:s4] =	ssyncset.s32 $0xFFFFF086  }
0x25: {  	[simem:s6], [sflag:s4] =	dma.local [hbm:s3], $0xF7A  }
0x26: {  	[smem:$0x3F87] =	sst s1;
	(tag) =	ssettag s2;
	_ =	strace s9  }
0x27: {  	s1 =	sld [smem:$0x3F97]  }
0x28: {  	s2 =	sld [smem:$0x3F98]  }
0x29: {  	s4 =	sld [smem:$0x3F9A]  }
0x2a: {  	p0 =	seq.s32 s5, $0x0;
	s5 =	sld [smem:$0x3F9B]  }
0x2b: {  	s6 =	sld [smem:$0x3F9C]  }
0x2c: {  	s7 =	sld [smem:$0x3F9D]  }
0x2d: {  	s3 =	simm.s32 $0x108;
	s8 =	sld [smem:$0x3F9E]  }
0x2e: {  	s3 =	simm.s32 @!p0 $0x1082;
	s9 =	sld [smem:$0x3F9F]  }
0x2f: {  	lr =	sadd.s32 s0, s3;
	s0 =	sld [smem:$0x3F96]  }
0x30: {  	s3 =	sld [smem:$0x3F99]  }
0x31: {  	[smem:$0x3FA2] =	sst s10  }
0x32: {  	s10 =	sld [smem:$0x3FA0];
	_ =	sdelay $0x3  }
0x33: {  	p0 =	seq.s32 s10, $0x1;
	s10 =	sld [smem:$0x3FA2];
	_ =	sdelay $0x3  }
0x34: {  	[smem:$0x3FA2] =	sst s10  }
0x35: {  	s10 =	sld [smem:$0x3FA1];
	_ =	sdelay $0x3  }
0x36: {  	p1 =	seq.s32 s10, $0x1;
	s10 =	sld [smem:$0x3FA2];
	_ =	sdelay $0x3  }
0x37: {  	[smem:$0x3FA2] =	sst s10  }
0x38: {  	s10 =	sld [smem:$0x3FA3]  }
0x39: {  	_ = 	snop;
	(pc) =	sbr.ind lr, $3  }
0x3a: {  	_ = 	snop  }
0x3b: {  	_ = 	snop  }
0x3c: {  	p2 =	seq.s32 s10, $0x1;
	s10 =	sld [smem:$0x3FA2]  }
0x3d: {  	_ =	shalt  }
0x3e: {  	_ =	shalt  }
0x3f: {  	_ =	shalt  }
0x40: {  	_ =	shalt  }
0x41: {  	_ =	shalt  }
0x42: {  	_ =	shalt  }
0x43: {  	_ =	shalt  }
0x44: {  	_ =	shalt  }
0x45: {  	_ =	shalt  }
0x46: {  	_ =	shalt  }
0x47: {  	_ =	shalt  }
0x48: {  	_ =	shalt  }
0x49: {  	_ =	shalt  }
0x4a: {  	_ =	shalt  }
0x4b: {  	_ =	shalt  }
0x4c: {  	_ =	shalt  }
0x4d: {  	_ =	shalt  }
0x4e: {  	_ =	shalt  }
0x4f: {  	_ =	shalt  }
0x50: {  	_ =	shalt  }
0x51: {  	_ =	shalt  }
0x52: {  	_ =	shalt  }
0x53: {  	_ =	shalt  }
0x54: {  	_ =	shalt  }
0x55: {  	_ =	shalt  }
0x56: {  	_ =	shalt  }
0x57: {  	_ =	shalt  }
0x58: {  	_ =	shalt  }
0x59: {  	_ =	shalt  }
0x5a: {  	_ =	shalt  }
0x5b: {  	_ =	shalt  }
0x5c: {  	_ =	shalt  }
0x5d: {  	_ =	shalt  }
0x5e: {  	_ =	shalt  }
0x5f: {  	_ =	shalt  }
0x60: {  	_ =	shalt  }
0x61: {  	_ =	shalt  }
0x62: {  	_ =	shalt  }
0x63: {  	_ =	shalt  }
0x64: {  	_ =	shalt  }
0x65: {  	_ =	shalt  }
0x66: {  	_ =	shalt  }
0x67: {  	_ =	shalt  }
0x68: {  	_ =	shalt  }
0x69: {  	_ =	shalt  }
0x6a: {  	_ =	shalt  }
0x6b: {  	_ =	shalt  }
0x6c: {  	_ =	shalt  }
0x6d: {  	_ =	shalt  }
0x6e: {  	_ =	shalt  }
0x6f: {  	_ =	shalt  }
0x70: {  	_ =	shalt  }
0x71: {  	_ =	shalt  }
0x72: {  	_ =	shalt  }
0x73: {  	_ =	shalt  }
0x74: {  	_ =	shalt  }
0x75: {  	_ =	shalt  }
0x76: {  	_ =	shalt  }
0x77: {  	_ =	shalt  }
0x78: {  	_ =	shalt  }
0x79: {  	_ =	shalt  }
0x7a: {  	_ =	shalt  }
0x7b: {  	_ =	shalt  }
0x7c: {  	_ =	shalt  }
0x7d: {  	_ =	shalt  }
0x7e: {  	_ =	shalt  }
0x7f: {  	_ =	shalt  }
0x80: {  	_ =	shalt  }
0x81: {  	_ =	shalt  }
0x82: {  	_ =	shalt  }
0x83: {  	_ =	shalt  }
0x84: {  	_ =	shalt  }
0x85: {  	_ =	shalt  }
0x86: {  	_ =	shalt  }
0x87: {  	_ =	shalt  }
.Lfunc_end0:
.L_simem_size_0:
called_computation_lowered:
.L_overlay_start_0:
0x88: {  	s2 =	sld [smem:$0x3FD9]  }
0x89: {  	s3 =	sld [smem:$0x3FFE];
	_ =	sdelay $0x1  }
0x8a: {  	s1 =	srdreg.scid  }
0x8b: {  	s0 =	sand.u32 $0x1, s1  }
0x8c: {  	s14 =	sshll.u32 s0, $0xA;
	s2 =	sadd.s32 s3, s2  }
0x8d: {  	s2 =	sadd.s32 s2, s14  }
0x8e: {  	[smem:$0x3FAE] =	sst s2  }
0x8f: {  	_ = 	snop  }
0x90: {  	s2 =	sld [smem:$0x3FC8]  }
0x91: {  	s15 =	sld [smem:$0x3FC7]  }
0x92: {  	s4 =	sld [smem:$0x3FC6]  }
0x93: {  	s5 =	sld [smem:$0x3FD0]  }
0x94: {  	s6 =	sld [smem:$0x3FC2]  }
0x95: {  	s7 =	sld [smem:$0x3FC1]  }
0x96: {  	s9 =	simm.s32 $0xA;
	s10 =	simm.s32 $0x10;
	s8 =	sld [smem:$0x3FC0]  }
0x97: {  	[smem:s10], [sflag:s9] =	dma.local [hbm:s5], $0x1  }
0x98: {  	_ =	swait.eq [sflag:s9], $0x1  }
0x99: {  	[sflag:s9] =	ssyncset.done $0x0  }
0x9a: {  	[sflag:s9] =	ssyncadd.s32 $0xFFFFFFFF  }
0x9b: {  	s16 =	sld [smem:$0x15];
	(tm) =	ssettm $0x1  }
0x9c: {  	s17 =	sld [smem:$0x3FFB];
	_ =	sdelay $0x3  }
0x9d: {  	_ =	strace s17  }
0x9e: {  	s9 =	sld [smem:$0x3FFC];
	_ =	sdelay $0x3  }
0x9f: {  	_ =	strace s9  }
0xa0: {  	s9 =	sld [smem:$0x3FFD];
	_ =	sdelay $0x3  }
0xa1: {  	_ =	strace s9  }
0xa2: {  	_ =	strace $0x8FFFFFFF  }
0xa3: {  	s18 =	sld [smem:$0x3FDB];
	_ =	sdelay $0x1  }
0xa4: {  	s19 =	simm.s32 $_scs_section_size  }
0xa5: {  	s11 =	simm.s32 $_size__tile_overlayer_lowered;
	s12 =	simm.s32 $_tile_overlayer_lowered  }
0xa6: {  	s22 =	simm.s32 $0x1BFF;
	s21 =	sshll.u32 s12, $0x1;
	s9 =	sadd.s32 s19, s18  }
0xa7: {  	s13 =	simm.s32 $0x0;
	s20 =	sshll.u32 s11, $0x1;
	s11 =	sadd.s32 s21, s9  }
0xa8: {  	[timem:s13], [sflag:s22] =	dma.local [hbm:s11], s20  }
0xa9: {  	_ =	swait.ge [sflag:s22], s20  }
0xaa: {  	s10 =	ssub.s32 $0x0, s20;
	[sflag:s22] =	ssyncset.done $0x0  }
0xab: {  	[sflag:s22] =	ssyncadd.s32 s10;
	_ =	sdelay $0x1  }
0xac: {  	s23 =	simm.s32 $0x1B8B  }
0xad: {  	_ =	swait.ge [sflag:s23], $0x1  }
0xae: {  	[sflag:s23] =	ssyncset.done $0x0  }
0xaf: {  	s25 =	simm.s32 $0x1B8E;
	s24 =	sld [smem:$0x3FFE];
	[sflag:s23] =	ssyncadd.s32 $0xFFFFFFFF  }
0xb0: {  	s26 =	simm.s32 $execute0_lowered;
	[smem:$0x3FD2] =	sst s25  }
0xb1: {  	s11 =	sshll.u32 s26, $0x1;
	_ =	strace $0x80000046;
	[dreg:$0x1] =	wrdreg $0xFFFFFFFF  }
0xb2: {  	s28 =	simm.s32 $_size_execute0_lowered;
	s9 =	sadd.s32 s9, s11;
	[dreg:$0x0] =	wrdreg $0x0  }
0xb3: {  	s11 =	sshll.u32 s28, $0x1;
	[dreg:$0x2] =	wrdreg s9  }
0xb4: {  	[dreg:$0x3] =	wrdreg s11  }
0xb5: {  	[dreg:$0x4] =	wrdreg $0xC0  }
0xb6: {  	_ =	task [dreg:s13], $0x5FFFF  }
0xb7: {  	[dreg:$0x1] =	wrdreg $0xFFFFFFFF  }
0xb8: {  	[dreg:$0x0] =	wrdreg $0x60  }
0xb9: {  	[dreg:$0x2] =	wrdreg s6  }
0xba: {  	[dreg:$0x3] =	wrdreg s7  }
0xbb: {  	[dreg:$0x4] =	wrdreg s8  }
0xbc: {  	[dreg:$0x5] =	wrdreg s2  }
0xbd: {  	[dreg:$0x6] =	wrdreg s15  }
0xbe: {  	[dreg:$0x7] =	wrdreg s4  }
0xbf: {  	[dreg:$0x8] =	wrdreg s16  }
0xc0: {  	[dreg:$0x9] =	wrdreg s24  }
0xc1: {  	[dreg:$0xa] =	wrdreg $0x9  }
0xc2: {  	_ =	task.clear_ibuf [dreg:s13], $0xBFFFF;
	_ =	strace $0x90000046  }
0xc3: {  	s29 =	simm.s32 $0x9;
	_ =	strace $0x80000048  }
0xc4: {  	_ =	swait.ge [sflag:s29], $0x1  }
0xc5: {  	[sflag:s29] =	ssyncadd.s32 $0xFFFFFFFF  }
0xc6: {  	_ =	strace $0x90000048  }
0xc7: {  	_ =	sfence  }
0xc8: {  	s30 =	sld [smem:$0x0];
	_ =	sdelay $0x2  }
0xc9: {  	s31 =	sshll.u32 s1, $0xD;
	s1 =	sshrl.u32 s1, $0x2  }
0xca: {  	s3 =	sand.u32 $0x4000, s31;
	s1 =	sadd.s32 s1, s30  }
0xcb: {  	s0 =	sor.u32 s3, s0;
	s1 =	sshll.u32 s1, $0x11  }
0xcc: {  	s0 =	sor.u32 s1, s0  }
0xcd: {  	s0 =	sadd.s32 $0x8F2B, s0  }
0xce: {  	[sflag:s0] =	ssyncadd.remote.s32 $0x1  }
0xcf: {  	_ =	sfence.sel $0xFFFF  }
0xd0: {  	[dreg:$0x0] =	wrdreg $0xFFFFFFFF;
	(pc) =	sbr.abs _section_cstart, $3  }
0xd1: {  	[dreg:$0x1] =	wrdreg $0xFFFFFFFF  }
0xd2: {  	_ =	task.clear_ibuf [dreg:s13], $0x2FFFF;
	_ =	strace $0x9FFFFFFF  }
0xd3: {  	(tm) =	ssettm $0x7FFFFFFF  }
tec
execute0_lowered:
.L_overlay_start_1:
0x0: {  	(tag) =	ssettag $0x1  }
0x1: {  	s4 =	rddreg [dreg:$0x0]  }
0x2: {  	s7 =	rddreg [dreg:$0x1]  }
0x3: {  	s3 =	rddreg [dreg:$0x2]  }
0x4: {  	s5 =	rddreg [dreg:$0x3]  }
0x5: {  	s8 =	rddreg [dreg:$0x4]  }
0x6: {  	s10 =	rddreg [dreg:$0x5]  }
0x7: {  	s1 =	srdreg.scid;
	s6 =	rddreg [dreg:$0x6]  }
0x8: {  	s0 =	stileid.u32;
	s13 =	rddreg [dreg:$0x7];
	s18 =	simm.s32 $0x1AF00  }
0x9: {  	s19 =	simm.s32 $0x18B00;
	s20 =	simm.s32 $0x1CF00;
	s21 =	simm.s32 $0x1  }
0xa: {  	s22 =	simm.s32 $0x2;
	s23 =	simm.s32 $0x3;
	s24 =	simm.s32 $0x0  }
0xb: {  	s9 =	sand.u32 $0x1, s1;
	s11 =	sshrl.u32 s0, $0x3;
	s30 =	sshll.u32 s0, $0x7  }
0xc: {  	s1 =	rddreg [dreg:$0x8];
	s2 =	sshll.u32 s9, $0x10;
	s12 =	sshll.u32 s11, $0x11  }
0xd: {  	s14 =	sand.u32 $0x380, s30;
	s15 =	smul.u32 $0xC3800, s11;
	s16 =	ssub.s32 $0x2, s9  }
0xe: {  	s11 =	sshll.u32 s11, $0xD;
	s31 =	sshll.u32 s9, $0xA;
	s12 =	sor.u32 s2, s12  }
0xf: {  	s2 =	simm.s32 $0x0;
	s17 =	sshrl.u32 s16, $0x1;
	s11 =	sor.u32 s14, s11  }
0x10: {  	s5 =	sadd.s32 s5, s31;
	s8 =	sadd.s32 s8, s31;
	s10 =	sadd.s32 s10, s31  }
0x11: {  	s12 =	sor.u32 s14, s12;
	[smem:$0x7FF] =	sst s2;
	s15 =	sor.u32 s14, s15  }
0x12: {  	s16 =	ssub.s32 s16, s17;
	s11 =	sshrl.u32 s11, $0x3;
	s14 =	simm.s32 $0x400  }
0x13: {  	s17 =	simm.s32 $0x18F00;
	s12 =	sshrl.u32 s12, $0x3;
	_ =	strace $0x80000047  }
0x14: {  	s15 =	sshrl.u32 s15, $0x3;
	s4 =	sadd.s32 s4, s11;
	s7 =	sadd.s32 s7, s11  }
0x15: {  	s13 =	sadd.s32 s12, s13;
	s3 =	sadd.s32 s3, s15;
	s6 =	sadd.s32 s6, s12  }
0x16: {  	s12 =	smax.u32 s16, $0x1;
	s15 =	simm.s32 $0x18700;
	s16 =	simm.s32 $0x4  }
0x17: {  	s9 =	sadd.s32 $0x3600, s13;
	s11 =	sadd.s32 $0xB600, s13;
	s13 =	simm.s32 $0x80  }
.LBB2_1:
0x18: {  	[tilespmem:s2], [sflag:$0x1] =	stream.strided.gather [hbm4b:s3+s13], $0x18700, s14, s13, $0x38;
	[tilespmem:$0x1EF00] =	vst v63  }
0x19: {  	_ = 	snop  }
0x1a: {  	[tilespmem:s15], [sflag:$0x4] =	stream.strided.gather [hbm4b:s4+s13], $0x400, s14, s13, $0x38;
	[tilespmem:$0x1EF00] =	vst v63  }
0x1b: {  	_ =	swait.ge [sflag:s16], $0x400  }
0x1c: {  	[sflag:s16] =	ssyncset.done $0x0  }
0x1d: {  	[sflag:s16] =	ssyncadd.s32 $0xFFFFFC00  }
0x1e: {  	[tilespmem:s17], [sflag:$0x4] =	stream.linear.gather [hbm4b:s5+s2], $0x2000, $0x38;
	[tilespmem:$0x1EF00] =	vst v63  }
0x1f: {  	_ =	swait.ge [sflag:s16], $0x2000  }
0x20: {  	[sflag:s16] =	ssyncset.done $0x0  }
0x21: {  	s25 =	simm.s32 $0x18F20;
	[sflag:s16] =	ssyncadd.s32 $0xFFFFE000  }
0x22: {  	v0 =	vld [tilespmem:s25+$0x10];
	_ =	sdelay $0x1  }
0x23: {  	v2 =	vld [tilespmem:s25+$0xFFFFFFE0]  }
0x24: {  	v3 =	vld [tilespmem:s25+$0xFFFFFFF0]  }
0x25: {  	s31 =	simm.s32 $0x18F60;
	v4 =	vld [tilespmem:s25+$0x0]  }
0x26: {  	v7 =	vld [tilespmem:s31+$0x10]  }
0x27: {  	v1 =	vld [tilespmem:s31+$0xFFFFFFF0]  }
0x28: {  	v6 =	vld [tilespmem:s31+$0xFFFFFFE0]  }
0x29: {  	v8 =	vld.idx.msk [tilespmem:v0+s15+$0x0], $0xffff  }
0x2a: {  	v0 =	vld [tilespmem:s31+$0x0]  }
0x2b: {  	v5 =	vld.idx.msk [tilespmem:v2+s15+$0x0], $0xffff  }
0x2c: {  	v2 =	vld.idx.msk [tilespmem:v3+s15+$0x0], $0xffff  }
0x2d: {  	s25 =	simm.s32 $0x1AF20;
	v3 =	vld.idx.msk [tilespmem:v4+s15+$0x0], $0xffff  }
0x2e: {  	s26 =	simm.s32 $0x4;
	s28 =	simm.s32 $0x18FA0;
	v4 =	vld.idx.msk [tilespmem:v7+s15+$0x0], $0xffff;
	[tilespmem:s25+$0x10] =	vst v8  }
.LBB2_2:
0x2f: {  	v7 =	vld [tilespmem:s28+$0x10];
	s26 =	sadd.s32 $0x4, s26  }
0x30: {  	v8 =	vld [tilespmem:s28+$0xFFFFFFF0];
	p0 =	slt.u32 s26, $0x1FC;
	[tilespmem:s25+$0xFFFFFFE0] =	vst v5  }
0x31: {  	v9 =	vld [tilespmem:s28+$0x0];
	[tilespmem:s25+$0xFFFFFFF0] =	vst v2  }
0x32: {  	v10 =	vld [tilespmem:s28+$0xFFFFFFE0];
	[tilespmem:s25+$0x0] =	vst v3  }
.Ltmp0:
0x33: {  	s25 =	sadd.s32 $0x40, s25;
	v5 =	vld.idx.msk [tilespmem:v6+s15+$0x0], $0xffff;
	(pc) =	sbr.rel @p0 .LBB2_2-.Ltmp0, $4  }
0x34: {  	v2 =	vld.idx.msk [tilespmem:v1+s15+$0x0], $0xffff;
	[tilespmem:s25+$0x10] =	vst v4  }
0x35: {  	v3 =	vld.idx.msk [tilespmem:v0+s15+$0x0], $0xffff;
	v1 =	vmov v8  }
0x36: {  	v0 =	vmov v9  }
0x37: {  	s28 =	sadd.s32 $0x40, s28;
	v4 =	vld.idx.msk [tilespmem:v7+s15+$0x0], $0xffff;
	v6 =	vmov v10  }
0x38: {  	_ =	sdelay $0x3  }
0x39: {  	v6 =	vld.idx.msk [tilespmem:v6+s15+$0x0], $0xffff  }
0x3a: {  	[tilespmem:s25+$0xFFFFFFE0] =	vst v5;
	v1 =	vld.idx.msk [tilespmem:v1+s15+$0x0], $0xffff  }
0x3b: {  	v0 =	vld.idx.msk [tilespmem:v0+s15+$0x0], $0xffff;
	[tilespmem:s25+$0xFFFFFFF0] =	vst v2  }
0x3c: {  	s29 =	sadd.s32 $0x40, s25;
	[tilespmem:s25+$0x0] =	vst v3  }
0x3d: {  	[tilespmem:s29+$0x10] =	vst v4  }
0x3e: {  	[tilespmem:s29+$0xFFFFFFE0] =	vst v6  }
0x3f: {  	[tilespmem:s29+$0xFFFFFFF0] =	vst v1  }
0x40: {  	[tilespmem:s29+$0x0] =	vst v0  }
0x41: {  	[hbm4b:s6+s13] =	stream.strided.scatter [tilespmem:s18], [sflag:$0x2], $0x2000, s14, s13, $0x38;
	[tilespmem:$0x1EF00] =	vst v63  }
0x42: {  	_ = 	snop  }
0x43: {  	[tilespmem:s19], [sflag:$0x4] =	stream.strided.gather [hbm4b:s7+s13], $0x400, s14, s13, $0x38;
	[tilespmem:$0x1EF00] =	vst v63  }
0x44: {  	_ =	swait.ge [sflag:s16], $0x400  }
0x45: {  	[sflag:s16] =	ssyncset.done $0x0  }
0x46: {  	[sflag:s16] =	ssyncadd.s32 $0xFFFFFC00  }
0x47: {  	[tilespmem:s17], [sflag:$0x4] =	stream.linear.gather [hbm4b:s8+s2], $0x2000, $0x38;
	[tilespmem:$0x1EF00] =	vst v63  }
0x48: {  	_ =	swait.ge [sflag:s16], $0x2000  }
0x49: {  	[sflag:s16] =	ssyncset.done $0x0  }
0x4a: {  	s30 =	simm.s32 $0x18F20;
	[sflag:s16] =	ssyncadd.s32 $0xFFFFE000  }
0x4b: {  	v0 =	vld [tilespmem:s30+$0x10];
	_ =	sdelay $0x1  }
0x4c: {  	v2 =	vld [tilespmem:s30+$0xFFFFFFE0]  }
0x4d: {  	v3 =	vld [tilespmem:s30+$0xFFFFFFF0]  }
0x4e: {  	s31 =	simm.s32 $0x18F60;
	v4 =	vld [tilespmem:s30+$0x0]  }
0x4f: {  	v7 =	vld [tilespmem:s31+$0x10]  }
0x50: {  	v1 =	vld [tilespmem:s31+$0xFFFFFFF0]  }
0x51: {  	v6 =	vld [tilespmem:s31+$0xFFFFFFE0]  }
0x52: {  	v8 =	vld.idx.msk [tilespmem:v0+s19+$0x0], $0xffff  }
0x53: {  	v0 =	vld [tilespmem:s31+$0x0]  }
0x54: {  	v5 =	vld.idx.msk [tilespmem:v2+s19+$0x0], $0xffff  }
0x55: {  	v2 =	vld.idx.msk [tilespmem:v3+s19+$0x0], $0xffff  }
0x56: {  	s25 =	simm.s32 $0x1CF20;
	v3 =	vld.idx.msk [tilespmem:v4+s19+$0x0], $0xffff  }
0x57: {  	s26 =	simm.s32 $0x4;
	s28 =	simm.s32 $0x18FA0;
	v4 =	vld.idx.msk [tilespmem:v7+s19+$0x0], $0xffff;
	[tilespmem:s25+$0x10] =	vst v8  }
.LBB2_4:
0x58: {  	v7 =	vld [tilespmem:s28+$0x10];
	s26 =	sadd.s32 $0x4, s26  }
0x59: {  	v8 =	vld [tilespmem:s28+$0xFFFFFFF0];
	p0 =	slt.u32 s26, $0x1FC;
	[tilespmem:s25+$0xFFFFFFE0] =	vst v5  }
0x5a: {  	v9 =	vld [tilespmem:s28+$0x0];
	[tilespmem:s25+$0xFFFFFFF0] =	vst v2  }
0x5b: {  	v10 =	vld [tilespmem:s28+$0xFFFFFFE0];
	[tilespmem:s25+$0x0] =	vst v3  }
.Ltmp1:
0x5c: {  	s25 =	sadd.s32 $0x40, s25;
	v5 =	vld.idx.msk [tilespmem:v6+s19+$0x0], $0xffff;
	(pc) =	sbr.rel @p0 .LBB2_4-.Ltmp1, $4  }
0x5d: {  	v2 =	vld.idx.msk [tilespmem:v1+s19+$0x0], $0xffff;
	[tilespmem:s25+$0x10] =	vst v4  }
0x5e: {  	v3 =	vld.idx.msk [tilespmem:v0+s19+$0x0], $0xffff;
	v1 =	vmov v8  }
0x5f: {  	v0 =	vmov v9  }
0x60: {  	s28 =	sadd.s32 $0x40, s28;
	v4 =	vld.idx.msk [tilespmem:v7+s19+$0x0], $0xffff;
	v6 =	vmov v10  }
0x61: {  	_ =	sdelay $0x3  }
0x62: {  	v6 =	vld.idx.msk [tilespmem:v6+s19+$0x0], $0xffff  }
0x63: {  	[tilespmem:s25+$0xFFFFFFE0] =	vst v5;
	v1 =	vld.idx.msk [tilespmem:v1+s19+$0x0], $0xffff  }
0x64: {  	v0 =	vld.idx.msk [tilespmem:v0+s19+$0x0], $0xffff;
	[tilespmem:s25+$0xFFFFFFF0] =	vst v2  }
0x65: {  	s29 =	sadd.s32 $0x40, s25;
	[tilespmem:s25+$0x0] =	vst v3  }
0x66: {  	[tilespmem:s29+$0x10] =	vst v4  }
0x67: {  	[tilespmem:s29+$0xFFFFFFE0] =	vst v6  }
0x68: {  	[tilespmem:s29+$0xFFFFFFF0] =	vst v1  }
0x69: {  	[tilespmem:s29+$0x0] =	vst v0  }
0x6a: {  	[hbm4b:s9+s13] =	stream.strided.scatter [tilespmem:s20], [sflag:$0x3], $0x2000, s14, s13, $0x38;
	[tilespmem:$0x1EF00] =	vst v63  }
0x6b: {  	_ = 	snop  }
0x6c: {  	[tilespmem:s17], [sflag:$0x4] =	stream.linear.gather [hbm4b:s10+s2], $0x2000, $0x38;
	[tilespmem:$0x1EF00] =	vst v63  }
0x6d: {  	_ =	swait.ge [sflag:s16], $0x2000  }
0x6e: {  	[sflag:s16] =	ssyncset.done $0x0  }
0x6f: {  	[sflag:s16] =	ssyncadd.s32 $0xFFFFE000  }
0x70: {  	_ =	swait.ge [sflag:s21], $0x18700  }
0x71: {  	[sflag:s21] =	ssyncset.done $0x0  }
0x72: {  	[sflag:s21] =	ssyncadd.s32 $0xFFFE7900  }
0x73: {  	_ =	swait.ge [sflag:s22], $0x2000  }
0x74: {  	[sflag:s22] =	ssyncset.done $0x0  }
0x75: {  	s30 =	simm.s32 $0x18F20;
	[sflag:s22] =	ssyncadd.s32 $0xFFFFE000  }
0x76: {  	v0 =	vld [tilespmem:s30+$0x10];
	_ =	sdelay $0x1  }
0x77: {  	v2 =	vld [tilespmem:s30+$0xFFFFFFE0]  }
0x78: {  	v3 =	vld [tilespmem:s30+$0xFFFFFFF0]  }
0x79: {  	s31 =	simm.s32 $0x18F60;
	v4 =	vld [tilespmem:s30+$0x0]  }
0x7a: {  	v7 =	vld [tilespmem:s31+$0x10]  }
0x7b: {  	v1 =	vld [tilespmem:s31+$0xFFFFFFF0]  }
0x7c: {  	v6 =	vld [tilespmem:s31+$0xFFFFFFE0]  }
0x7d: {  	v8 =	vld.idx.msk [tilespmem:v0+s2+$0x0], $0xffff  }
0x7e: {  	v0 =	vld [tilespmem:s31+$0x0]  }
0x7f: {  	v5 =	vld.idx.msk [tilespmem:v2+s2+$0x0], $0xffff  }
0x80: {  	v2 =	vld.idx.msk [tilespmem:v3+s2+$0x0], $0xffff  }
0x81: {  	s25 =	simm.s32 $0x1AF20;
	v3 =	vld.idx.msk [tilespmem:v4+s2+$0x0], $0xffff  }
0x82: {  	s26 =	simm.s32 $0x4;
	s28 =	simm.s32 $0x18FA0;
	v4 =	vld.idx.msk [tilespmem:v7+s2+$0x0], $0xffff;
	[tilespmem:s25+$0x10] =	vst v8  }
.LBB2_6:
0x83: {  	v7 =	vld [tilespmem:s28+$0x10];
	s26 =	sadd.s32 $0x4, s26  }
0x84: {  	v8 =	vld [tilespmem:s28+$0xFFFFFFF0];
	p0 =	slt.u32 s26, $0x1FC;
	[tilespmem:s25+$0xFFFFFFE0] =	vst v5  }
0x85: {  	v9 =	vld [tilespmem:s28+$0x0];
	[tilespmem:s25+$0xFFFFFFF0] =	vst v2  }
0x86: {  	v10 =	vld [tilespmem:s28+$0xFFFFFFE0];
	[tilespmem:s25+$0x0] =	vst v3  }
.Ltmp2:
0x87: {  	s25 =	sadd.s32 $0x40, s25;
	v5 =	vld.idx.msk [tilespmem:v6+s2+$0x0], $0xffff;
	(pc) =	sbr.rel @p0 .LBB2_6-.Ltmp2, $4  }
0x88: {  	v2 =	vld.idx.msk [tilespmem:v1+s2+$0x0], $0xffff;
	[tilespmem:s25+$0x10] =	vst v4  }
0x89: {  	v3 =	vld.idx.msk [tilespmem:v0+s2+$0x0], $0xffff;
	v1 =	vmov v8  }
0x8a: {  	v0 =	vmov v9  }
0x8b: {  	s28 =	sadd.s32 $0x40, s28;
	v4 =	vld.idx.msk [tilespmem:v7+s2+$0x0], $0xffff;
	v6 =	vmov v10  }
0x8c: {  	_ =	sdelay $0x3  }
0x8d: {  	v6 =	vld.idx.msk [tilespmem:v6+s2+$0x0], $0xffff  }
0x8e: {  	[tilespmem:s25+$0xFFFFFFE0] =	vst v5;
	v1 =	vld.idx.msk [tilespmem:v1+s2+$0x0], $0xffff  }
0x8f: {  	v0 =	vld.idx.msk [tilespmem:v0+s2+$0x0], $0xffff;
	[tilespmem:s25+$0xFFFFFFF0] =	vst v2  }
0x90: {  	s31 =	sadd.s32 $0x40, s25;
	[tilespmem:s25+$0x0] =	vst v3  }
0x91: {  	[tilespmem:s31+$0x10] =	vst v4  }
0x92: {  	[tilespmem:s31+$0xFFFFFFE0] =	vst v6  }
0x93: {  	[tilespmem:s31+$0xFFFFFFF0] =	vst v1  }
0x94: {  	s24 =	sadd.s32 $0x1, s24;
	[tilespmem:s31+$0x0] =	vst v0  }
0x95: {  	[hbm4b:s11+s13] =	stream.strided.scatter [tilespmem:s18], [sflag:$0x4], $0x2000, s14, s13, $0x38;
	[tilespmem:$0x1EF00] =	vst v63  }
0x96: {  	p0 =	sne.s32 s24, s12;
	_ =	swait.ge [sflag:s16], $0x2000  }
.Ltmp3:
0x97: {  	[sflag:s16] =	ssyncset.done $0x0;
	(pc) =	sbr.rel @p0 .LBB2_1-.Ltmp3, $4  }
0x98: {  	[sflag:s16] =	ssyncadd.s32 $0xFFFFE000  }
0x99: {  	_ =	swait.ge [sflag:s23], $0x2000  }
0x9a: {  	[sflag:s23] =	ssyncset.done $0x0  }
0x9b: {  	[sflag:s23] =	ssyncadd.s32 $0xFFFFE000  }
0x9c: {  	_ =	sfence.sel $0x180000  }
0x9d: {  	[bflag:$0x0] =	sbarrier.arrive $0xFFFF  }
0x9e: {  	p0 =	sne.s32 s0, $0x0;
	_ =	strace $0x90000047  }
0x9f: {  	s0 =	sadd.s32 @!p0 $0x100000, s1;
	[bflag:$0x2] =	sbarrier.arrive $0xFFFF  }
0xa0: {  	[sflag:s0] =	ssyncadd.tile.s32 @!p0 $0x1;
	_ =	shalt  }
.Lfunc_end2:
_tile_overlayer_lowered:
.L_overlay_start_2:
0xa1: {  	(tag) =	ssettag $0x2  }
0xa2: {  	s0 =	rddreg [dreg:$0x0];
	s2 =	stileid.u32  }
0xa3: {  	s1 =	rddreg [dreg:$0x1];
	p0 =	sne.s32 s2, $0x0  }
0xa4: {  	s3 =	rddreg [dreg:$0x2];
	[bflag:$0x3] =	sbarrier.arrive $0xFFFF;
	s2 =	simm.s32 @!p0 $0x1C04  }
0xa5: {  	[timem:s3], [sflag:s2] =	dma.local @!p0 [hbm:s0], s1  }
0xa6: {  	s0 =	simm.s32 @!p0 $0x4  }
0xa7: {  	_ =	swait.ge @!p0 [sflag:s0], s1  }
0xa8: {  	s1 =	ssub.s32 @!p0 $0x0, s1;
	[sflag:s0] =	ssyncset.done @!p0 $0x0  }
0xa9: {  	[sflag:s0] =	ssyncadd.s32 @!p0 s1  }
0xaa: {  	[bflag:$0x3] =	sbarrier.arrive $0xFFFF  }
0xab: {  	_ =	shalt  }

</sc_bundles>
